<compile_context>
chip_gen: v7x
topology: tpu7x:2x2x1
jax: 0.10.2.dev20260603
libtpu: 0.0.44.dev20260713+nightly
codegen_flags: <defaults>
</compile_context>

<pallas_src>
import functools

import jax
import jax.numpy as jnp
from jax import lax
from jax.experimental import pallas as pl
from jax.experimental.pallas import tpu as pltpu
from jax.experimental.pallas import tpu_sc as plsc

N = 320000
D = 128
G_SEGS = 512
NC = 2
NS = 16
NW = NC * NS
ROWS_PER_W = N // NW
CHUNK = 40
NCHUNK = ROWS_PER_W // CHUNK
NBUF = 10
NGROUP = NCHUNK // NBUF
SEG_PER_TILE = G_SEGS // NS


def _segment_sum_sc(x, batch_r):
    mesh = plsc.VectorSubcoreMesh(core_axis_name="c", subcore_axis_name="s")

    @functools.partial(
        pl.kernel,
        out_type=jax.ShapeDtypeStruct((NC, G_SEGS, D), jnp.float32),
        mesh=mesh,
        scratch_types=(
            [pltpu.VMEM((NCHUNK, CHUNK), jnp.int32)]
            + [pltpu.VMEM((CHUNK, D), jnp.float32) for _ in range(NBUF)]
            + [pltpu.VMEM((SEG_PER_TILE, D), jnp.float32),
               pltpu.VMEM_SHARED((G_SEGS, D), jnp.float32)]
            + [pltpu.SemaphoreType.DMA for _ in range(2 * NBUF + 1)]
        ),
    )
    def k(x_hbm, b_hbm, out_hbm, idx_v, *rest):
        bufs = rest[:NBUF]
        zbuf, acc = rest[NBUF], rest[NBUF + 1]
        ls = rest[NBUF + 2:2 * NBUF + 2]
        ws = rest[2 * NBUF + 2:3 * NBUF + 2]
        msem = rest[3 * NBUF + 2]
        c = lax.axis_index("c")
        s = lax.axis_index("s")
        wid = c * NS + s
        row0 = wid * ROWS_PER_W

        pltpu.async_copy(b_hbm.at[wid], idx_v, msem).wait()

        zero = jnp.zeros((16,), jnp.float32)

        @pl.loop(0, SEG_PER_TILE)
        def _zero_rows(r):
            for cc in range(D // 16):
                zbuf[r, pl.ds(cc * 16, 16)] = zero

        pltpu.sync_copy(zbuf, acc.at[pl.ds(s * SEG_PER_TILE, SEG_PER_TILE)])
        plsc.subcore_barrier()

        def load(j, b):
            return pltpu.async_copy(
                x_hbm.at[pl.ds(row0 + j * CHUNK, CHUNK)], bufs[b], ls[b])

        def wait_load(b):
            pltpu.make_async_copy(
                x_hbm.at[pl.ds(0, CHUNK)], bufs[b], ls[b]).wait()

        def scat(j, b):
            return pltpu.async_copy(bufs[b], acc.at[idx_v.at[j]], ws[b],
                                    add=True)

        for b in range(NBUF):
            load(b, b)

        @pl.loop(0, NGROUP)
        def _group(g):
            j0 = g * NBUF
            scats = []
            for b in range(NBUF):
                wait_load(b)
                scats.append(scat(j0 + b, b))
            for b in range(NBUF):
                scats[b].wait()

                @pl.when(g + 1 < NGROUP)
                def _next_load():
                    load(j0 + NBUF + b, b)

        plsc.subcore_barrier()
        pltpu.async_copy(
            acc.at[pl.ds(s * SEG_PER_TILE, SEG_PER_TILE)],
            out_hbm.at[c, pl.ds(s * SEG_PER_TILE, SEG_PER_TILE)],
            msem).wait()

    return k(x, batch_r)


def kernel(input, batch, num_graphs):
    partials = _segment_sum_sc(input, batch.reshape(NW, NCHUNK, CHUNK))
    out = partials[0] + partials[1]
    return out + (jnp.asarray(num_graphs) - G_SEGS).astype(out.dtype)

# --- scband reference (transcript-rebuilt; emitter-appended) ---
"""Pipeline reference for scband-sum-readout-11940009083645 (READ-ONLY COPY).

The authoritative reference and input builder live on the scoring server;
editing this copy changes nothing except your own understanding.
"""

import jax, jax.numpy as jnp
import numpy as np

N = 320000
D = 128
G = 512

def setup_inputs(seed: int = 0) -> dict:
    key = jax.random.key(seed)
    k1, k2 = jax.random.split(key)
    x = jax.random.normal(k1, (N, D), dtype=jnp.float32)
    batch = jnp.sort(jax.random.randint(k2, (N,), 0, G, dtype=jnp.int32))
    return {"input": x, "batch": batch, "num_graphs": G}

def reference(input, batch, num_graphs):
    # scatter_add(input, batch, dim=0, dim_size=num_graphs)
    out = jax.ops.segment_sum(input, batch, num_segments=G)
    return out + (jnp.asarray(num_graphs) - G).astype(out.dtype)

if __name__ == "__main__":
    import jax
    _d = setup_inputs()
    print(jax.jit(kernel)(*tuple(_d.values())))

</pallas_src>

<mosaic_0001>
#map = affine_map<(d0, d1) -> (0, 0)>
#map1 = affine_map<(d0, d1) -> (0, 0, 0)>
module attributes {stable_mosaic.version = 14 : i64} {
  func.func @k(%arg0: i32, %arg1: i32, %arg2: memref<320000x128xf32, #tpu.memory_space<hbm>>, %arg3: memref<32x250x40xi32, #tpu.memory_space<hbm>>, %arg4: memref<2x512x128xf32, #tpu.memory_space<hbm>>, %arg5: memref<250x40xi32, #tpu.memory_space<vmem>>, %arg6: memref<40x128xf32, #tpu.memory_space<vmem>>, %arg7: memref<40x128xf32, #tpu.memory_space<vmem>>, %arg8: memref<40x128xf32, #tpu.memory_space<vmem>>, %arg9: memref<40x128xf32, #tpu.memory_space<vmem>>, %arg10: memref<40x128xf32, #tpu.memory_space<vmem>>, %arg11: memref<40x128xf32, #tpu.memory_space<vmem>>, %arg12: memref<40x128xf32, #tpu.memory_space<vmem>>, %arg13: memref<40x128xf32, #tpu.memory_space<vmem>>, %arg14: memref<40x128xf32, #tpu.memory_space<vmem>>, %arg15: memref<40x128xf32, #tpu.memory_space<vmem>>, %arg16: memref<32x128xf32, #tpu.memory_space<vmem>>, %arg17: memref<512x128xf32, #tpu.memory_space<vmem_shared>>, %arg18: memref<!tpu.dma_semaphore, #tpu.memory_space<semaphore_mem>>, %arg19: memref<!tpu.dma_semaphore, #tpu.memory_space<semaphore_mem>>, %arg20: memref<!tpu.dma_semaphore, #tpu.memory_space<semaphore_mem>>, %arg21: memref<!tpu.dma_semaphore, #tpu.memory_space<semaphore_mem>>, %arg22: memref<!tpu.dma_semaphore, #tpu.memory_space<semaphore_mem>>, %arg23: memref<!tpu.dma_semaphore, #tpu.memory_space<semaphore_mem>>, %arg24: memref<!tpu.dma_semaphore, #tpu.memory_space<semaphore_mem>>, %arg25: memref<!tpu.dma_semaphore, #tpu.memory_space<semaphore_mem>>, %arg26: memref<!tpu.dma_semaphore, #tpu.memory_space<semaphore_mem>>, %arg27: memref<!tpu.dma_semaphore, #tpu.memory_space<semaphore_mem>>, %arg28: memref<!tpu.dma_semaphore, #tpu.memory_space<semaphore_mem>>, %arg29: memref<!tpu.dma_semaphore, #tpu.memory_space<semaphore_mem>>, %arg30: memref<!tpu.dma_semaphore, #tpu.memory_space<semaphore_mem>>, %arg31: memref<!tpu.dma_semaphore, #tpu.memory_space<semaphore_mem>>, %arg32: memref<!tpu.dma_semaphore, #tpu.memory_space<semaphore_mem>>, %arg33: memref<!tpu.dma_semaphore, #tpu.memory_space<semaphore_mem>>, %arg34: memref<!tpu.dma_semaphore, #tpu.memory_space<semaphore_mem>>, %arg35: memref<!tpu.dma_semaphore, #tpu.memory_space<semaphore_mem>>, %arg36: memref<!tpu.dma_semaphore, #tpu.memory_space<semaphore_mem>>, %arg37: memref<!tpu.dma_semaphore, #tpu.memory_space<semaphore_mem>>, %arg38: memref<!tpu.dma_semaphore, #tpu.memory_space<semaphore_mem>>) attributes {dimension_semantics = [#tpu.dimension_semantics<core_parallel>, #tpu.dimension_semantics<subcore_parallel>], iteration_bounds = array<i64: 2, 16>, scalar_prefetch = 0 : i64, scratch_operands = 34 : i64, tpu.core_type = #tpu.core_type<sc_vector_subcore>, window_params = [{transform_indices = #map}, {transform_indices = #map1}, {transform_indices = #map1}]} {
    %mul3A = arith.constant 16 : i32
    %mul3A_0 = arith.muli %arg0, %mul3A : i32
    %add3A = arith.addi %mul3A_0, %arg1 : i32
    %mul3A_1 = arith.constant 10000 : i32
    %mul3A_2 = arith.muli %add3A, %mul3A_1 : i32
    %dma_start3A = arith.constant 0 : i32
    %dma_start3A_3 = arith.constant 0 : i32
    %dma_start3A_4 = tpu.memref_slice %arg3[%add3A, %dma_start3A, %dma_start3A_3] : memref<32x250x40xi32, #tpu.memory_space<hbm>> -> memref<1x250x40xi32, #tpu.memory_space<hbm>>
    %dma_start3A_5 = tpu.memref_squeeze %dma_start3A_4 : memref<1x250x40xi32, #tpu.memory_space<hbm>> -> memref<250x40xi32, #tpu.memory_space<hbm>>
    %dma_start3A_6 = arith.constant 0 : i32
    %dma_start3A_7 = arith.constant 0 : i32
    %dma_start3A_8 = tpu.memref_slice %arg3[%add3A, %dma_start3A_6, %dma_start3A_7] : memref<32x250x40xi32, #tpu.memory_space<hbm>> -> memref<1x250x40xi32, #tpu.memory_space<hbm>>
    %dma_start3A_9 = tpu.memref_squeeze %dma_start3A_8 : memref<1x250x40xi32, #tpu.memory_space<hbm>> -> memref<250x40xi32, #tpu.memory_space<hbm>>
    tpu.enqueue_dma source(%dma_start3A_9 : memref<250x40xi32, #tpu.memory_space<hbm>>) target(%arg5 : memref<250x40xi32, #tpu.memory_space<vmem>>) target_semaphore(%arg38 : memref<!tpu.dma_semaphore, #tpu.memory_space<semaphore_mem>>)
    %dma_wait3A = arith.constant 0 : i32
    %dma_wait3A_10 = arith.constant 0 : i32
    %dma_wait3A_11 = tpu.memref_slice %arg3[%add3A, %dma_wait3A, %dma_wait3A_10] : memref<32x250x40xi32, #tpu.memory_space<hbm>> -> memref<1x250x40xi32, #tpu.memory_space<hbm>>
    %dma_wait3A_12 = tpu.memref_squeeze %dma_wait3A_11 : memref<1x250x40xi32, #tpu.memory_space<hbm>> -> memref<250x40xi32, #tpu.memory_space<hbm>>
    %dma_wait3A_13 = arith.constant 0 : i32
    %dma_wait3A_14 = arith.constant 0 : i32
    %dma_wait3A_15 = tpu.memref_slice %arg3[%add3A, %dma_wait3A_13, %dma_wait3A_14] : memref<32x250x40xi32, #tpu.memory_space<hbm>> -> memref<1x250x40xi32, #tpu.memory_space<hbm>>
    %dma_wait3A_16 = tpu.memref_squeeze %dma_wait3A_15 : memref<1x250x40xi32, #tpu.memory_space<hbm>> -> memref<250x40xi32, #tpu.memory_space<hbm>>
    tpu.wait_dma2 semaphore(%arg38 : memref<!tpu.dma_semaphore, #tpu.memory_space<semaphore_mem>>) src(%dma_wait3A_16 : memref<250x40xi32, #tpu.memory_space<hbm>>) dst(%arg5 : memref<250x40xi32, #tpu.memory_space<vmem>>)
    %broadcast_in_dim3A = arith.constant 0.000000e+00 : f32
    %broadcast_in_dim3A_17 = vector.broadcast %broadcast_in_dim3A : f32 to vector<16xf32>
    %scan3A = arith.constant 0 : i32
    %scan3A_18 = arith.constant 32 : i32
    %scan3A_19 = arith.addi %scan3A, %scan3A_18 : i32
    %scan3A_20 = arith.constant 1 : i32
    scf.for %scan3A_104 = %scan3A to %scan3A_19 step %scan3A_20  : i32 {
      %mul3A_105 = arith.constant 1 : i32
      %mul3A_106 = arith.muli %scan3A_104, %mul3A_105 : i32
      %add3A_107 = arith.constant 0 : i32
      %add3A_108 = arith.addi %add3A_107, %mul3A_106 : i32
      %swap3A = arith.index_cast %add3A_108 : i32 to index
      %swap3A_109 = arith.constant 0 : index
      %swap3A_110 = tpu.vector_load %arg16[%swap3A, %swap3A_109] {strides = array<i32>} : memref<32x128xf32, #tpu.memory_space<vmem>>, vector<1x16xf32>,
      %swap3A_111 = vector.shape_cast %swap3A_110 : vector<1x16xf32> to vector<16xf32>
      %swap3A_112 = vector.shape_cast %broadcast_in_dim3A_17 : vector<16xf32> to vector<1x16xf32>
      tpu.vector_store %arg16[%swap3A, %swap3A_109], %swap3A_112 {strides = array<i32>} : memref<32x128xf32, #tpu.memory_space<vmem>>, vector<1x16xf32>,
      %swap3A_113 = arith.index_cast %add3A_108 : i32 to index
      %swap3A_114 = arith.constant 16 : index
      %swap3A_115 = tpu.vector_load %arg16[%swap3A_113, %swap3A_114] {strides = array<i32>} : memref<32x128xf32, #tpu.memory_space<vmem>>, vector<1x16xf32>,
      %swap3A_116 = vector.shape_cast %swap3A_115 : vector<1x16xf32> to vector<16xf32>
      %swap3A_117 = vector.shape_cast %broadcast_in_dim3A_17 : vector<16xf32> to vector<1x16xf32>
      tpu.vector_store %arg16[%swap3A_113, %swap3A_114], %swap3A_117 {strides = array<i32>} : memref<32x128xf32, #tpu.memory_space<vmem>>, vector<1x16xf32>,
      %swap3A_118 = arith.index_cast %add3A_108 : i32 to index
      %swap3A_119 = arith.constant 32 : index
      %swap3A_120 = tpu.vector_load %arg16[%swap3A_118, %swap3A_119] {strides = array<i32>} : memref<32x128xf32, #tpu.memory_space<vmem>>, vector<1x16xf32>,
      %swap3A_121 = vector.shape_cast %swap3A_120 : vector<1x16xf32> to vector<16xf32>
      %swap3A_122 = vector.shape_cast %broadcast_in_dim3A_17 : vector<16xf32> to vector<1x16xf32>
      tpu.vector_store %arg16[%swap3A_118, %swap3A_119], %swap3A_122 {strides = array<i32>} : memref<32x128xf32, #tpu.memory_space<vmem>>, vector<1x16xf32>,
      %swap3A_123 = arith.index_cast %add3A_108 : i32 to index
      %swap3A_124 = arith.constant 48 : index
      %swap3A_125 = tpu.vector_load %arg16[%swap3A_123, %swap3A_124] {strides = array<i32>} : memref<32x128xf32, #tpu.memory_space<vmem>>, vector<1x16xf32>,
      %swap3A_126 = vector.shape_cast %swap3A_125 : vector<1x16xf32> to vector<16xf32>
      %swap3A_127 = vector.shape_cast %broadcast_in_dim3A_17 : vector<16xf32> to vector<1x16xf32>
      tpu.vector_store %arg16[%swap3A_123, %swap3A_124], %swap3A_127 {strides = array<i32>} : memref<32x128xf32, #tpu.memory_space<vmem>>, vector<1x16xf32>,
      %swap3A_128 = arith.index_cast %add3A_108 : i32 to index
      %swap3A_129 = arith.constant 64 : index
      %swap3A_130 = tpu.vector_load %arg16[%swap3A_128, %swap3A_129] {strides = array<i32>} : memref<32x128xf32, #tpu.memory_space<vmem>>, vector<1x16xf32>,
      %swap3A_131 = vector.shape_cast %swap3A_130 : vector<1x16xf32> to vector<16xf32>
      %swap3A_132 = vector.shape_cast %broadcast_in_dim3A_17 : vector<16xf32> to vector<1x16xf32>
      tpu.vector_store %arg16[%swap3A_128, %swap3A_129], %swap3A_132 {strides = array<i32>} : memref<32x128xf32, #tpu.memory_space<vmem>>, vector<1x16xf32>,
      %swap3A_133 = arith.index_cast %add3A_108 : i32 to index
      %swap3A_134 = arith.constant 80 : index
      %swap3A_135 = tpu.vector_load %arg16[%swap3A_133, %swap3A_134] {strides = array<i32>} : memref<32x128xf32, #tpu.memory_space<vmem>>, vector<1x16xf32>,
      %swap3A_136 = vector.shape_cast %swap3A_135 : vector<1x16xf32> to vector<16xf32>
      %swap3A_137 = vector.shape_cast %broadcast_in_dim3A_17 : vector<16xf32> to vector<1x16xf32>
      tpu.vector_store %arg16[%swap3A_133, %swap3A_134], %swap3A_137 {strides = array<i32>} : memref<32x128xf32, #tpu.memory_space<vmem>>, vector<1x16xf32>,
      %swap3A_138 = arith.index_cast %add3A_108 : i32 to index
      %swap3A_139 = arith.constant 96 : index
      %swap3A_140 = tpu.vector_load %arg16[%swap3A_138, %swap3A_139] {strides = array<i32>} : memref<32x128xf32, #tpu.memory_space<vmem>>, vector<1x16xf32>,
      %swap3A_141 = vector.shape_cast %swap3A_140 : vector<1x16xf32> to vector<16xf32>
      %swap3A_142 = vector.shape_cast %broadcast_in_dim3A_17 : vector<16xf32> to vector<1x16xf32>
      tpu.vector_store %arg16[%swap3A_138, %swap3A_139], %swap3A_142 {strides = array<i32>} : memref<32x128xf32, #tpu.memory_space<vmem>>, vector<1x16xf32>,
      %swap3A_143 = arith.index_cast %add3A_108 : i32 to index
      %swap3A_144 = arith.constant 112 : index
      %swap3A_145 = tpu.vector_load %arg16[%swap3A_143, %swap3A_144] {strides = array<i32>} : memref<32x128xf32, #tpu.memory_space<vmem>>, vector<1x16xf32>,
      %swap3A_146 = vector.shape_cast %swap3A_145 : vector<1x16xf32> to vector<16xf32>
      %swap3A_147 = vector.shape_cast %broadcast_in_dim3A_17 : vector<16xf32> to vector<1x16xf32>
      tpu.vector_store %arg16[%swap3A_143, %swap3A_144], %swap3A_147 {strides = array<i32>} : memref<32x128xf32, #tpu.memory_space<vmem>>, vector<1x16xf32>,
    }
    %scan3A_21 = arith.constant 32 : i32
    %mul3A_22 = arith.constant 32 : i32
    %mul3A_23 = arith.muli %arg1, %mul3A_22 : i32
    "tpu.region"() ({
      %run_scoped3A = tpu.sem_alloc : memref<!tpu.dma_semaphore, #tpu.memory_space<semaphore_mem>>
      %dma_start3A_104 = arith.constant 0 : i32
      %dma_start3A_105 = tpu.memref_slice %arg17[%mul3A_23, %dma_start3A_104] : memref<512x128xf32, #tpu.memory_space<vmem_shared>> -> memref<32x128xf32, #tpu.memory_space<vmem_shared>>
      %dma_start3A_106 = arith.constant 0 : i32
      %dma_start3A_107 = tpu.memref_slice %arg17[%mul3A_23, %dma_start3A_106] : memref<512x128xf32, #tpu.memory_space<vmem_shared>> -> memref<32x128xf32, #tpu.memory_space<vmem_shared>>
      tpu.enqueue_dma source(%arg16 : memref<32x128xf32, #tpu.memory_space<vmem>>) target(%dma_start3A_107 : memref<32x128xf32, #tpu.memory_space<vmem_shared>>) target_semaphore(%run_scoped3A : memref<!tpu.dma_semaphore, #tpu.memory_space<semaphore_mem>>)
      %dma_wait3A_108 = arith.constant 0 : i32
      %dma_wait3A_109 = tpu.memref_slice %arg17[%mul3A_23, %dma_wait3A_108] : memref<512x128xf32, #tpu.memory_space<vmem_shared>> -> memref<32x128xf32, #tpu.memory_space<vmem_shared>>
      %dma_wait3A_110 = arith.constant 0 : i32
      %dma_wait3A_111 = tpu.memref_slice %arg17[%mul3A_23, %dma_wait3A_110] : memref<512x128xf32, #tpu.memory_space<vmem_shared>> -> memref<32x128xf32, #tpu.memory_space<vmem_shared>>
      tpu.wait_dma2 semaphore(%run_scoped3A : memref<!tpu.dma_semaphore, #tpu.memory_space<semaphore_mem>>) src(%arg16 : memref<32x128xf32, #tpu.memory_space<vmem>>) dst(%dma_wait3A_111 : memref<32x128xf32, #tpu.memory_space<vmem_shared>>)
      tpu.yield
    }) : () -> ()
    %barrier3A = arith.constant 0 : index
    tpu.barrier barrier_id(%barrier3A)
    %add3A_24 = arith.constant 0 : i32
    %add3A_25 = arith.addi %mul3A_2, %add3A_24 : i32
    %dma_start3A_26 = arith.constant 0 : i32
    %dma_start3A_27 = tpu.memref_slice %arg2[%add3A_25, %dma_start3A_26] : memref<320000x128xf32, #tpu.memory_space<hbm>> -> memref<40x128xf32, #tpu.memory_space<hbm>>
    %dma_start3A_28 = arith.constant 0 : i32
    %dma_start3A_29 = tpu.memref_slice %arg2[%add3A_25, %dma_start3A_28] : memref<320000x128xf32, #tpu.memory_space<hbm>> -> memref<40x128xf32, #tpu.memory_space<hbm>>
    tpu.enqueue_dma source(%dma_start3A_29 : memref<40x128xf32, #tpu.memory_space<hbm>>) target(%arg6 : memref<40x128xf32, #tpu.memory_space<vmem>>) target_semaphore(%arg18 : memref<!tpu.dma_semaphore, #tpu.memory_space<semaphore_mem>>)
    %add3A_30 = arith.constant 40 : i32
    %add3A_31 = arith.addi %mul3A_2, %add3A_30 : i32
    %dma_start3A_32 = arith.constant 0 : i32
    %dma_start3A_33 = tpu.memref_slice %arg2[%add3A_31, %dma_start3A_32] : memref<320000x128xf32, #tpu.memory_space<hbm>> -> memref<40x128xf32, #tpu.memory_space<hbm>>
    %dma_start3A_34 = arith.constant 0 : i32
    %dma_start3A_35 = tpu.memref_slice %arg2[%add3A_31, %dma_start3A_34] : memref<320000x128xf32, #tpu.memory_space<hbm>> -> memref<40x128xf32, #tpu.memory_space<hbm>>
    tpu.enqueue_dma source(%dma_start3A_35 : memref<40x128xf32, #tpu.memory_space<hbm>>) target(%arg7 : memref<40x128xf32, #tpu.memory_space<vmem>>) target_semaphore(%arg19 : memref<!tpu.dma_semaphore, #tpu.memory_space<semaphore_mem>>)
    %add3A_36 = arith.constant 80 : i32
    %add3A_37 = arith.addi %mul3A_2, %add3A_36 : i32
    %dma_start3A_38 = arith.constant 0 : i32
    %dma_start3A_39 = tpu.memref_slice %arg2[%add3A_37, %dma_start3A_38] : memref<320000x128xf32, #tpu.memory_space<hbm>> -> memref<40x128xf32, #tpu.memory_space<hbm>>
    %dma_start3A_40 = arith.constant 0 : i32
    %dma_start3A_41 = tpu.memref_slice %arg2[%add3A_37, %dma_start3A_40] : memref<320000x128xf32, #tpu.memory_space<hbm>> -> memref<40x128xf32, #tpu.memory_space<hbm>>
    tpu.enqueue_dma source(%dma_start3A_41 : memref<40x128xf32, #tpu.memory_space<hbm>>) target(%arg8 : memref<40x128xf32, #tpu.memory_space<vmem>>) target_semaphore(%arg20 : memref<!tpu.dma_semaphore, #tpu.memory_space<semaphore_mem>>)
    %add3A_42 = arith.constant 120 : i32
    %add3A_43 = arith.addi %mul3A_2, %add3A_42 : i32
    %dma_start3A_44 = arith.constant 0 : i32
    %dma_start3A_45 = tpu.memref_slice %arg2[%add3A_43, %dma_start3A_44] : memref<320000x128xf32, #tpu.memory_space<hbm>> -> memref<40x128xf32, #tpu.memory_space<hbm>>
    %dma_start3A_46 = arith.constant 0 : i32
    %dma_start3A_47 = tpu.memref_slice %arg2[%add3A_43, %dma_start3A_46] : memref<320000x128xf32, #tpu.memory_space<hbm>> -> memref<40x128xf32, #tpu.memory_space<hbm>>
    tpu.enqueue_dma source(%dma_start3A_47 : memref<40x128xf32, #tpu.memory_space<hbm>>) target(%arg9 : memref<40x128xf32, #tpu.memory_space<vmem>>) target_semaphore(%arg21 : memref<!tpu.dma_semaphore, #tpu.memory_space<semaphore_mem>>)
    %add3A_48 = arith.constant 160 : i32
    %add3A_49 = arith.addi %mul3A_2, %add3A_48 : i32
    %dma_start3A_50 = arith.constant 0 : i32
    %dma_start3A_51 = tpu.memref_slice %arg2[%add3A_49, %dma_start3A_50] : memref<320000x128xf32, #tpu.memory_space<hbm>> -> memref<40x128xf32, #tpu.memory_space<hbm>>
    %dma_start3A_52 = arith.constant 0 : i32
    %dma_start3A_53 = tpu.memref_slice %arg2[%add3A_49, %dma_start3A_52] : memref<320000x128xf32, #tpu.memory_space<hbm>> -> memref<40x128xf32, #tpu.memory_space<hbm>>
    tpu.enqueue_dma source(%dma_start3A_53 : memref<40x128xf32, #tpu.memory_space<hbm>>) target(%arg10 : memref<40x128xf32, #tpu.memory_space<vmem>>) target_semaphore(%arg22 : memref<!tpu.dma_semaphore, #tpu.memory_space<semaphore_mem>>)
    %add3A_54 = arith.constant 200 : i32
    %add3A_55 = arith.addi %mul3A_2, %add3A_54 : i32
    %dma_start3A_56 = arith.constant 0 : i32
    %dma_start3A_57 = tpu.memref_slice %arg2[%add3A_55, %dma_start3A_56] : memref<320000x128xf32, #tpu.memory_space<hbm>> -> memref<40x128xf32, #tpu.memory_space<hbm>>
    %dma_start3A_58 = arith.constant 0 : i32
    %dma_start3A_59 = tpu.memref_slice %arg2[%add3A_55, %dma_start3A_58] : memref<320000x128xf32, #tpu.memory_space<hbm>> -> memref<40x128xf32, #tpu.memory_space<hbm>>
    tpu.enqueue_dma source(%dma_start3A_59 : memref<40x128xf32, #tpu.memory_space<hbm>>) target(%arg11 : memref<40x128xf32, #tpu.memory_space<vmem>>) target_semaphore(%arg23 : memref<!tpu.dma_semaphore, #tpu.memory_space<semaphore_mem>>)
    %add3A_60 = arith.constant 240 : i32
    %add3A_61 = arith.addi %mul3A_2, %add3A_60 : i32
    %dma_start3A_62 = arith.constant 0 : i32
    %dma_start3A_63 = tpu.memref_slice %arg2[%add3A_61, %dma_start3A_62] : memref<320000x128xf32, #tpu.memory_space<hbm>> -> memref<40x128xf32, #tpu.memory_space<hbm>>
    %dma_start3A_64 = arith.constant 0 : i32
    %dma_start3A_65 = tpu.memref_slice %arg2[%add3A_61, %dma_start3A_64] : memref<320000x128xf32, #tpu.memory_space<hbm>> -> memref<40x128xf32, #tpu.memory_space<hbm>>
    tpu.enqueue_dma source(%dma_start3A_65 : memref<40x128xf32, #tpu.memory_space<hbm>>) target(%arg12 : memref<40x128xf32, #tpu.memory_space<vmem>>) target_semaphore(%arg24 : memref<!tpu.dma_semaphore, #tpu.memory_space<semaphore_mem>>)
    %add3A_66 = arith.constant 280 : i32
    %add3A_67 = arith.addi %mul3A_2, %add3A_66 : i32
    %dma_start3A_68 = arith.constant 0 : i32
    %dma_start3A_69 = tpu.memref_slice %arg2[%add3A_67, %dma_start3A_68] : memref<320000x128xf32, #tpu.memory_space<hbm>> -> memref<40x128xf32, #tpu.memory_space<hbm>>
    %dma_start3A_70 = arith.constant 0 : i32
    %dma_start3A_71 = tpu.memref_slice %arg2[%add3A_67, %dma_start3A_70] : memref<320000x128xf32, #tpu.memory_space<hbm>> -> memref<40x128xf32, #tpu.memory_space<hbm>>
    tpu.enqueue_dma source(%dma_start3A_71 : memref<40x128xf32, #tpu.memory_space<hbm>>) target(%arg13 : memref<40x128xf32, #tpu.memory_space<vmem>>) target_semaphore(%arg25 : memref<!tpu.dma_semaphore, #tpu.memory_space<semaphore_mem>>)
    %add3A_72 = arith.constant 320 : i32
    %add3A_73 = arith.addi %mul3A_2, %add3A_72 : i32
    %dma_start3A_74 = arith.constant 0 : i32
    %dma_start3A_75 = tpu.memref_slice %arg2[%add3A_73, %dma_start3A_74] : memref<320000x128xf32, #tpu.memory_space<hbm>> -> memref<40x128xf32, #tpu.memory_space<hbm>>
    %dma_start3A_76 = arith.constant 0 : i32
    %dma_start3A_77 = tpu.memref_slice %arg2[%add3A_73, %dma_start3A_76] : memref<320000x128xf32, #tpu.memory_space<hbm>> -> memref<40x128xf32, #tpu.memory_space<hbm>>
    tpu.enqueue_dma source(%dma_start3A_77 : memref<40x128xf32, #tpu.memory_space<hbm>>) target(%arg14 : memref<40x128xf32, #tpu.memory_space<vmem>>) target_semaphore(%arg26 : memref<!tpu.dma_semaphore, #tpu.memory_space<semaphore_mem>>)
    %add3A_78 = arith.constant 360 : i32
    %add3A_79 = arith.addi %mul3A_2, %add3A_78 : i32
    %dma_start3A_80 = arith.constant 0 : i32
    %dma_start3A_81 = tpu.memref_slice %arg2[%add3A_79, %dma_start3A_80] : memref<320000x128xf32, #tpu.memory_space<hbm>> -> memref<40x128xf32, #tpu.memory_space<hbm>>
    %dma_start3A_82 = arith.constant 0 : i32
    %dma_start3A_83 = tpu.memref_slice %arg2[%add3A_79, %dma_start3A_82] : memref<320000x128xf32, #tpu.memory_space<hbm>> -> memref<40x128xf32, #tpu.memory_space<hbm>>
    tpu.enqueue_dma source(%dma_start3A_83 : memref<40x128xf32, #tpu.memory_space<hbm>>) target(%arg15 : memref<40x128xf32, #tpu.memory_space<vmem>>) target_semaphore(%arg27 : memref<!tpu.dma_semaphore, #tpu.memory_space<semaphore_mem>>)
    %scan3A_84 = arith.constant 0 : i32
    %scan3A_85 = arith.constant 25 : i32
    %scan3A_86 = arith.addi %scan3A_84, %scan3A_85 : i32
    %scan3A_87 = arith.constant 1 : i32
    scf.for %scan3A_104 = %scan3A_84 to %scan3A_86 step %scan3A_87  : i32 {
      %mul3A_105 = arith.constant 1 : i32
      %mul3A_106 = arith.muli %scan3A_104, %mul3A_105 : i32
      %add3A_107 = arith.constant 0 : i32
      %add3A_108 = arith.addi %add3A_107, %mul3A_106 : i32
      %mul3A_109 = arith.constant 10 : i32
      %mul3A_110 = arith.muli %add3A_108, %mul3A_109 : i32
      %dma_wait3A_111 = arith.constant 0 : i32
      %dma_wait3A_112 = arith.constant 0 : i32
      %dma_wait3A_113 = tpu.memref_slice %arg2[%dma_wait3A_111, %dma_wait3A_112] : memref<320000x128xf32, #tpu.memory_space<hbm>> -> memref<40x128xf32, #tpu.memory_space<hbm>>
      %dma_wait3A_114 = arith.constant 0 : i32
      %dma_wait3A_115 = arith.constant 0 : i32
      %dma_wait3A_116 = tpu.memref_slice %arg2[%dma_wait3A_114, %dma_wait3A_115] : memref<320000x128xf32, #tpu.memory_space<hbm>> -> memref<40x128xf32, #tpu.memory_space<hbm>>
      tpu.wait_dma2 semaphore(%arg18 : memref<!tpu.dma_semaphore, #tpu.memory_space<semaphore_mem>>) src(%dma_wait3A_116 : memref<40x128xf32, #tpu.memory_space<hbm>>) dst(%arg6 : memref<40x128xf32, #tpu.memory_space<vmem>>)
      %add3A_117 = arith.constant 0 : i32
      %add3A_118 = arith.addi %mul3A_110, %add3A_117 : i32
      %dma_start3A_119 = arith.constant 0 : i32
      %dma_start3A_120 = tpu.memref_slice %arg5[%add3A_118, %dma_start3A_119] : memref<250x40xi32, #tpu.memory_space<vmem>> -> memref<1x40xi32, #tpu.memory_space<vmem>>
      %dma_start3A_121 = tpu.memref_squeeze %dma_start3A_120 : memref<1x40xi32, #tpu.memory_space<vmem>> -> memref<40xi32, #tpu.memory_space<vmem>>
      %dma_start3A_122 = arith.constant 0 : i32
      %dma_start3A_123 = arith.constant 0 : i32
      %dma_start3A_124 = tpu.memref_slice %arg17[%dma_start3A_122, %dma_start3A_123] : memref<512x128xf32, #tpu.memory_space<vmem_shared>> -> memref<512x128xf32, #tpu.memory_space<vmem_shared>>
      tpu.enqueue_indirect_dma source(%arg6 : memref<40x128xf32, #tpu.memory_space<vmem>>) target(%dma_start3A_124 : memref<512x128xf32, #tpu.memory_space<vmem_shared>>) offsets(%dma_start3A_121 : memref<40xi32, #tpu.memory_space<vmem>>) semaphore(%arg28 : memref<!tpu.dma_semaphore, #tpu.memory_space<semaphore_mem>>) {add = true}
      %dma_wait3A_125 = arith.constant 0 : i32
      %dma_wait3A_126 = arith.constant 0 : i32
      %dma_wait3A_127 = tpu.memref_slice %arg2[%dma_wait3A_125, %dma_wait3A_126] : memref<320000x128xf32, #tpu.memory_space<hbm>> -> memref<40x128xf32, #tpu.memory_space<hbm>>
      %dma_wait3A_128 = arith.constant 0 : i32
      %dma_wait3A_129 = arith.constant 0 : i32
      %dma_wait3A_130 = tpu.memref_slice %arg2[%dma_wait3A_128, %dma_wait3A_129] : memref<320000x128xf32, #tpu.memory_space<hbm>> -> memref<40x128xf32, #tpu.memory_space<hbm>>
      tpu.wait_dma2 semaphore(%arg19 : memref<!tpu.dma_semaphore, #tpu.memory_space<semaphore_mem>>) src(%dma_wait3A_130 : memref<40x128xf32, #tpu.memory_space<hbm>>) dst(%arg7 : memref<40x128xf32, #tpu.memory_space<vmem>>)
      %add3A_131 = arith.constant 1 : i32
      %add3A_132 = arith.addi %mul3A_110, %add3A_131 : i32
      %dma_start3A_133 = arith.constant 0 : i32
      %dma_start3A_134 = tpu.memref_slice %arg5[%add3A_132, %dma_start3A_133] : memref<250x40xi32, #tpu.memory_space<vmem>> -> memref<1x40xi32, #tpu.memory_space<vmem>>
      %dma_start3A_135 = tpu.memref_squeeze %dma_start3A_134 : memref<1x40xi32, #tpu.memory_space<vmem>> -> memref<40xi32, #tpu.memory_space<vmem>>
      %dma_start3A_136 = arith.constant 0 : i32
      %dma_start3A_137 = arith.constant 0 : i32
      %dma_start3A_138 = tpu.memref_slice %arg17[%dma_start3A_136, %dma_start3A_137] : memref<512x128xf32, #tpu.memory_space<vmem_shared>> -> memref<512x128xf32, #tpu.memory_space<vmem_shared>>
      tpu.enqueue_indirect_dma source(%arg7 : memref<40x128xf32, #tpu.memory_space<vmem>>) target(%dma_start3A_138 : memref<512x128xf32, #tpu.memory_space<vmem_shared>>) offsets(%dma_start3A_135 : memref<40xi32, #tpu.memory_space<vmem>>) semaphore(%arg29 : memref<!tpu.dma_semaphore, #tpu.memory_space<semaphore_mem>>) {add = true}
      %dma_wait3A_139 = arith.constant 0 : i32
      %dma_wait3A_140 = arith.constant 0 : i32
      %dma_wait3A_141 = tpu.memref_slice %arg2[%dma_wait3A_139, %dma_wait3A_140] : memref<320000x128xf32, #tpu.memory_space<hbm>> -> memref<40x128xf32, #tpu.memory_space<hbm>>
      %dma_wait3A_142 = arith.constant 0 : i32
      %dma_wait3A_143 = arith.constant 0 : i32
      %dma_wait3A_144 = tpu.memref_slice %arg2[%dma_wait3A_142, %dma_wait3A_143] : memref<320000x128xf32, #tpu.memory_space<hbm>> -> memref<40x128xf32, #tpu.memory_space<hbm>>
      tpu.wait_dma2 semaphore(%arg20 : memref<!tpu.dma_semaphore, #tpu.memory_space<semaphore_mem>>) src(%dma_wait3A_144 : memref<40x128xf32, #tpu.memory_space<hbm>>) dst(%arg8 : memref<40x128xf32, #tpu.memory_space<vmem>>)
      %add3A_145 = arith.constant 2 : i32
      %add3A_146 = arith.addi %mul3A_110, %add3A_145 : i32
      %dma_start3A_147 = arith.constant 0 : i32
      %dma_start3A_148 = tpu.memref_slice %arg5[%add3A_146, %dma_start3A_147] : memref<250x40xi32, #tpu.memory_space<vmem>> -> memref<1x40xi32, #tpu.memory_space<vmem>>
      %dma_start3A_149 = tpu.memref_squeeze %dma_start3A_148 : memref<1x40xi32, #tpu.memory_space<vmem>> -> memref<40xi32, #tpu.memory_space<vmem>>
      %dma_start3A_150 = arith.constant 0 : i32
      %dma_start3A_151 = arith.constant 0 : i32
      %dma_start3A_152 = tpu.memref_slice %arg17[%dma_start3A_150, %dma_start3A_151] : memref<512x128xf32, #tpu.memory_space<vmem_shared>> -> memref<512x128xf32, #tpu.memory_space<vmem_shared>>
      tpu.enqueue_indirect_dma source(%arg8 : memref<40x128xf32, #tpu.memory_space<vmem>>) target(%dma_start3A_152 : memref<512x128xf32, #tpu.memory_space<vmem_shared>>) offsets(%dma_start3A_149 : memref<40xi32, #tpu.memory_space<vmem>>) semaphore(%arg30 : memref<!tpu.dma_semaphore, #tpu.memory_space<semaphore_mem>>) {add = true}
      %dma_wait3A_153 = arith.constant 0 : i32
      %dma_wait3A_154 = arith.constant 0 : i32
      %dma_wait3A_155 = tpu.memref_slice %arg2[%dma_wait3A_153, %dma_wait3A_154] : memref<320000x128xf32, #tpu.memory_space<hbm>> -> memref<40x128xf32, #tpu.memory_space<hbm>>
      %dma_wait3A_156 = arith.constant 0 : i32
      %dma_wait3A_157 = arith.constant 0 : i32
      %dma_wait3A_158 = tpu.memref_slice %arg2[%dma_wait3A_156, %dma_wait3A_157] : memref<320000x128xf32, #tpu.memory_space<hbm>> -> memref<40x128xf32, #tpu.memory_space<hbm>>
      tpu.wait_dma2 semaphore(%arg21 : memref<!tpu.dma_semaphore, #tpu.memory_space<semaphore_mem>>) src(%dma_wait3A_158 : memref<40x128xf32, #tpu.memory_space<hbm>>) dst(%arg9 : memref<40x128xf32, #tpu.memory_space<vmem>>)
      %add3A_159 = arith.constant 3 : i32
      %add3A_160 = arith.addi %mul3A_110, %add3A_159 : i32
      %dma_start3A_161 = arith.constant 0 : i32
      %dma_start3A_162 = tpu.memref_slice %arg5[%add3A_160, %dma_start3A_161] : memref<250x40xi32, #tpu.memory_space<vmem>> -> memref<1x40xi32, #tpu.memory_space<vmem>>
      %dma_start3A_163 = tpu.memref_squeeze %dma_start3A_162 : memref<1x40xi32, #tpu.memory_space<vmem>> -> memref<40xi32, #tpu.memory_space<vmem>>
      %dma_start3A_164 = arith.constant 0 : i32
      %dma_start3A_165 = arith.constant 0 : i32
      %dma_start3A_166 = tpu.memref_slice %arg17[%dma_start3A_164, %dma_start3A_165] : memref<512x128xf32, #tpu.memory_space<vmem_shared>> -> memref<512x128xf32, #tpu.memory_space<vmem_shared>>
      tpu.enqueue_indirect_dma source(%arg9 : memref<40x128xf32, #tpu.memory_space<vmem>>) target(%dma_start3A_166 : memref<512x128xf32, #tpu.memory_space<vmem_shared>>) offsets(%dma_start3A_163 : memref<40xi32, #tpu.memory_space<vmem>>) semaphore(%arg31 : memref<!tpu.dma_semaphore, #tpu.memory_space<semaphore_mem>>) {add = true}
      %dma_wait3A_167 = arith.constant 0 : i32
      %dma_wait3A_168 = arith.constant 0 : i32
      %dma_wait3A_169 = tpu.memref_slice %arg2[%dma_wait3A_167, %dma_wait3A_168] : memref<320000x128xf32, #tpu.memory_space<hbm>> -> memref<40x128xf32, #tpu.memory_space<hbm>>
      %dma_wait3A_170 = arith.constant 0 : i32
      %dma_wait3A_171 = arith.constant 0 : i32
      %dma_wait3A_172 = tpu.memref_slice %arg2[%dma_wait3A_170, %dma_wait3A_171] : memref<320000x128xf32, #tpu.memory_space<hbm>> -> memref<40x128xf32, #tpu.memory_space<hbm>>
      tpu.wait_dma2 semaphore(%arg22 : memref<!tpu.dma_semaphore, #tpu.memory_space<semaphore_mem>>) src(%dma_wait3A_172 : memref<40x128xf32, #tpu.memory_space<hbm>>) dst(%arg10 : memref<40x128xf32, #tpu.memory_space<vmem>>)
      %add3A_173 = arith.constant 4 : i32
      %add3A_174 = arith.addi %mul3A_110, %add3A_173 : i32
      %dma_start3A_175 = arith.constant 0 : i32
      %dma_start3A_176 = tpu.memref_slice %arg5[%add3A_174, %dma_start3A_175] : memref<250x40xi32, #tpu.memory_space<vmem>> -> memref<1x40xi32, #tpu.memory_space<vmem>>
      %dma_start3A_177 = tpu.memref_squeeze %dma_start3A_176 : memref<1x40xi32, #tpu.memory_space<vmem>> -> memref<40xi32, #tpu.memory_space<vmem>>
      %dma_start3A_178 = arith.constant 0 : i32
      %dma_start3A_179 = arith.constant 0 : i32
      %dma_start3A_180 = tpu.memref_slice %arg17[%dma_start3A_178, %dma_start3A_179] : memref<512x128xf32, #tpu.memory_space<vmem_shared>> -> memref<512x128xf32, #tpu.memory_space<vmem_shared>>
      tpu.enqueue_indirect_dma source(%arg10 : memref<40x128xf32, #tpu.memory_space<vmem>>) target(%dma_start3A_180 : memref<512x128xf32, #tpu.memory_space<vmem_shared>>) offsets(%dma_start3A_177 : memref<40xi32, #tpu.memory_space<vmem>>) semaphore(%arg32 : memref<!tpu.dma_semaphore, #tpu.memory_space<semaphore_mem>>) {add = true}
      %dma_wait3A_181 = arith.constant 0 : i32
      %dma_wait3A_182 = arith.constant 0 : i32
      %dma_wait3A_183 = tpu.memref_slice %arg2[%dma_wait3A_181, %dma_wait3A_182] : memref<320000x128xf32, #tpu.memory_space<hbm>> -> memref<40x128xf32, #tpu.memory_space<hbm>>
      %dma_wait3A_184 = arith.constant 0 : i32
      %dma_wait3A_185 = arith.constant 0 : i32
      %dma_wait3A_186 = tpu.memref_slice %arg2[%dma_wait3A_184, %dma_wait3A_185] : memref<320000x128xf32, #tpu.memory_space<hbm>> -> memref<40x128xf32, #tpu.memory_space<hbm>>
      tpu.wait_dma2 semaphore(%arg23 : memref<!tpu.dma_semaphore, #tpu.memory_space<semaphore_mem>>) src(%dma_wait3A_186 : memref<40x128xf32, #tpu.memory_space<hbm>>) dst(%arg11 : memref<40x128xf32, #tpu.memory_space<vmem>>)
      %add3A_187 = arith.constant 5 : i32
      %add3A_188 = arith.addi %mul3A_110, %add3A_187 : i32
      %dma_start3A_189 = arith.constant 0 : i32
      %dma_start3A_190 = tpu.memref_slice %arg5[%add3A_188, %dma_start3A_189] : memref<250x40xi32, #tpu.memory_space<vmem>> -> memref<1x40xi32, #tpu.memory_space<vmem>>
      %dma_start3A_191 = tpu.memref_squeeze %dma_start3A_190 : memref<1x40xi32, #tpu.memory_space<vmem>> -> memref<40xi32, #tpu.memory_space<vmem>>
      %dma_start3A_192 = arith.constant 0 : i32
      %dma_start3A_193 = arith.constant 0 : i32
      %dma_start3A_194 = tpu.memref_slice %arg17[%dma_start3A_192, %dma_start3A_193] : memref<512x128xf32, #tpu.memory_space<vmem_shared>> -> memref<512x128xf32, #tpu.memory_space<vmem_shared>>
      tpu.enqueue_indirect_dma source(%arg11 : memref<40x128xf32, #tpu.memory_space<vmem>>) target(%dma_start3A_194 : memref<512x128xf32, #tpu.memory_space<vmem_shared>>) offsets(%dma_start3A_191 : memref<40xi32, #tpu.memory_space<vmem>>) semaphore(%arg33 : memref<!tpu.dma_semaphore, #tpu.memory_space<semaphore_mem>>) {add = true}
      %dma_wait3A_195 = arith.constant 0 : i32
      %dma_wait3A_196 = arith.constant 0 : i32
      %dma_wait3A_197 = tpu.memref_slice %arg2[%dma_wait3A_195, %dma_wait3A_196] : memref<320000x128xf32, #tpu.memory_space<hbm>> -> memref<40x128xf32, #tpu.memory_space<hbm>>
      %dma_wait3A_198 = arith.constant 0 : i32
      %dma_wait3A_199 = arith.constant 0 : i32
      %dma_wait3A_200 = tpu.memref_slice %arg2[%dma_wait3A_198, %dma_wait3A_199] : memref<320000x128xf32, #tpu.memory_space<hbm>> -> memref<40x128xf32, #tpu.memory_space<hbm>>
      tpu.wait_dma2 semaphore(%arg24 : memref<!tpu.dma_semaphore, #tpu.memory_space<semaphore_mem>>) src(%dma_wait3A_200 : memref<40x128xf32, #tpu.memory_space<hbm>>) dst(%arg12 : memref<40x128xf32, #tpu.memory_space<vmem>>)
      %add3A_201 = arith.constant 6 : i32
      %add3A_202 = arith.addi %mul3A_110, %add3A_201 : i32
      %dma_start3A_203 = arith.constant 0 : i32
      %dma_start3A_204 = tpu.memref_slice %arg5[%add3A_202, %dma_start3A_203] : memref<250x40xi32, #tpu.memory_space<vmem>> -> memref<1x40xi32, #tpu.memory_space<vmem>>
      %dma_start3A_205 = tpu.memref_squeeze %dma_start3A_204 : memref<1x40xi32, #tpu.memory_space<vmem>> -> memref<40xi32, #tpu.memory_space<vmem>>
      %dma_start3A_206 = arith.constant 0 : i32
      %dma_start3A_207 = arith.constant 0 : i32
      %dma_start3A_208 = tpu.memref_slice %arg17[%dma_start3A_206, %dma_start3A_207] : memref<512x128xf32, #tpu.memory_space<vmem_shared>> -> memref<512x128xf32, #tpu.memory_space<vmem_shared>>
      tpu.enqueue_indirect_dma source(%arg12 : memref<40x128xf32, #tpu.memory_space<vmem>>) target(%dma_start3A_208 : memref<512x128xf32, #tpu.memory_space<vmem_shared>>) offsets(%dma_start3A_205 : memref<40xi32, #tpu.memory_space<vmem>>) semaphore(%arg34 : memref<!tpu.dma_semaphore, #tpu.memory_space<semaphore_mem>>) {add = true}
      %dma_wait3A_209 = arith.constant 0 : i32
      %dma_wait3A_210 = arith.constant 0 : i32
      %dma_wait3A_211 = tpu.memref_slice %arg2[%dma_wait3A_209, %dma_wait3A_210] : memref<320000x128xf32, #tpu.memory_space<hbm>> -> memref<40x128xf32, #tpu.memory_space<hbm>>
      %dma_wait3A_212 = arith.constant 0 : i32
      %dma_wait3A_213 = arith.constant 0 : i32
      %dma_wait3A_214 = tpu.memref_slice %arg2[%dma_wait3A_212, %dma_wait3A_213] : memref<320000x128xf32, #tpu.memory_space<hbm>> -> memref<40x128xf32, #tpu.memory_space<hbm>>
      tpu.wait_dma2 semaphore(%arg25 : memref<!tpu.dma_semaphore, #tpu.memory_space<semaphore_mem>>) src(%dma_wait3A_214 : memref<40x128xf32, #tpu.memory_space<hbm>>) dst(%arg13 : memref<40x128xf32, #tpu.memory_space<vmem>>)
      %add3A_215 = arith.constant 7 : i32
      %add3A_216 = arith.addi %mul3A_110, %add3A_215 : i32
      %dma_start3A_217 = arith.constant 0 : i32
      %dma_start3A_218 = tpu.memref_slice %arg5[%add3A_216, %dma_start3A_217] : memref<250x40xi32, #tpu.memory_space<vmem>> -> memref<1x40xi32, #tpu.memory_space<vmem>>
      %dma_start3A_219 = tpu.memref_squeeze %dma_start3A_218 : memref<1x40xi32, #tpu.memory_space<vmem>> -> memref<40xi32, #tpu.memory_space<vmem>>
      %dma_start3A_220 = arith.constant 0 : i32
      %dma_start3A_221 = arith.constant 0 : i32
      %dma_start3A_222 = tpu.memref_slice %arg17[%dma_start3A_220, %dma_start3A_221] : memref<512x128xf32, #tpu.memory_space<vmem_shared>> -> memref<512x128xf32, #tpu.memory_space<vmem_shared>>
      tpu.enqueue_indirect_dma source(%arg13 : memref<40x128xf32, #tpu.memory_space<vmem>>) target(%dma_start3A_222 : memref<512x128xf32, #tpu.memory_space<vmem_shared>>) offsets(%dma_start3A_219 : memref<40xi32, #tpu.memory_space<vmem>>) semaphore(%arg35 : memref<!tpu.dma_semaphore, #tpu.memory_space<semaphore_mem>>) {add = true}
      %dma_wait3A_223 = arith.constant 0 : i32
      %dma_wait3A_224 = arith.constant 0 : i32
      %dma_wait3A_225 = tpu.memref_slice %arg2[%dma_wait3A_223, %dma_wait3A_224] : memref<320000x128xf32, #tpu.memory_space<hbm>> -> memref<40x128xf32, #tpu.memory_space<hbm>>
      %dma_wait3A_226 = arith.constant 0 : i32
      %dma_wait3A_227 = arith.constant 0 : i32
      %dma_wait3A_228 = tpu.memref_slice %arg2[%dma_wait3A_226, %dma_wait3A_227] : memref<320000x128xf32, #tpu.memory_space<hbm>> -> memref<40x128xf32, #tpu.memory_space<hbm>>
      tpu.wait_dma2 semaphore(%arg26 : memref<!tpu.dma_semaphore, #tpu.memory_space<semaphore_mem>>) src(%dma_wait3A_228 : memref<40x128xf32, #tpu.memory_space<hbm>>) dst(%arg14 : memref<40x128xf32, #tpu.memory_space<vmem>>)
      %add3A_229 = arith.constant 8 : i32
      %add3A_230 = arith.addi %mul3A_110, %add3A_229 : i32
      %dma_start3A_231 = arith.constant 0 : i32
      %dma_start3A_232 = tpu.memref_slice %arg5[%add3A_230, %dma_start3A_231] : memref<250x40xi32, #tpu.memory_space<vmem>> -> memref<1x40xi32, #tpu.memory_space<vmem>>
      %dma_start3A_233 = tpu.memref_squeeze %dma_start3A_232 : memref<1x40xi32, #tpu.memory_space<vmem>> -> memref<40xi32, #tpu.memory_space<vmem>>
      %dma_start3A_234 = arith.constant 0 : i32
      %dma_start3A_235 = arith.constant 0 : i32
      %dma_start3A_236 = tpu.memref_slice %arg17[%dma_start3A_234, %dma_start3A_235] : memref<512x128xf32, #tpu.memory_space<vmem_shared>> -> memref<512x128xf32, #tpu.memory_space<vmem_shared>>
      tpu.enqueue_indirect_dma source(%arg14 : memref<40x128xf32, #tpu.memory_space<vmem>>) target(%dma_start3A_236 : memref<512x128xf32, #tpu.memory_space<vmem_shared>>) offsets(%dma_start3A_233 : memref<40xi32, #tpu.memory_space<vmem>>) semaphore(%arg36 : memref<!tpu.dma_semaphore, #tpu.memory_space<semaphore_mem>>) {add = true}
      %dma_wait3A_237 = arith.constant 0 : i32
      %dma_wait3A_238 = arith.constant 0 : i32
      %dma_wait3A_239 = tpu.memref_slice %arg2[%dma_wait3A_237, %dma_wait3A_238] : memref<320000x128xf32, #tpu.memory_space<hbm>> -> memref<40x128xf32, #tpu.memory_space<hbm>>
      %dma_wait3A_240 = arith.constant 0 : i32
      %dma_wait3A_241 = arith.constant 0 : i32
      %dma_wait3A_242 = tpu.memref_slice %arg2[%dma_wait3A_240, %dma_wait3A_241] : memref<320000x128xf32, #tpu.memory_space<hbm>> -> memref<40x128xf32, #tpu.memory_space<hbm>>
      tpu.wait_dma2 semaphore(%arg27 : memref<!tpu.dma_semaphore, #tpu.memory_space<semaphore_mem>>) src(%dma_wait3A_242 : memref<40x128xf32, #tpu.memory_space<hbm>>) dst(%arg15 : memref<40x128xf32, #tpu.memory_space<vmem>>)
      %add3A_243 = arith.constant 9 : i32
      %add3A_244 = arith.addi %mul3A_110, %add3A_243 : i32
      %dma_start3A_245 = arith.constant 0 : i32
      %dma_start3A_246 = tpu.memref_slice %arg5[%add3A_244, %dma_start3A_245] : memref<250x40xi32, #tpu.memory_space<vmem>> -> memref<1x40xi32, #tpu.memory_space<vmem>>
      %dma_start3A_247 = tpu.memref_squeeze %dma_start3A_246 : memref<1x40xi32, #tpu.memory_space<vmem>> -> memref<40xi32, #tpu.memory_space<vmem>>
      %dma_start3A_248 = arith.constant 0 : i32
      %dma_start3A_249 = arith.constant 0 : i32
      %dma_start3A_250 = tpu.memref_slice %arg17[%dma_start3A_248, %dma_start3A_249] : memref<512x128xf32, #tpu.memory_space<vmem_shared>> -> memref<512x128xf32, #tpu.memory_space<vmem_shared>>
      tpu.enqueue_indirect_dma source(%arg15 : memref<40x128xf32, #tpu.memory_space<vmem>>) target(%dma_start3A_250 : memref<512x128xf32, #tpu.memory_space<vmem_shared>>) offsets(%dma_start3A_247 : memref<40xi32, #tpu.memory_space<vmem>>) semaphore(%arg37 : memref<!tpu.dma_semaphore, #tpu.memory_space<semaphore_mem>>) {add = true}
      %dma_wait3A_251 = arith.constant 0 : i32
      %dma_wait3A_252 = tpu.memref_slice %arg5[%add3A_118, %dma_wait3A_251] : memref<250x40xi32, #tpu.memory_space<vmem>> -> memref<1x40xi32, #tpu.memory_space<vmem>>
      %dma_wait3A_253 = tpu.memref_squeeze %dma_wait3A_252 : memref<1x40xi32, #tpu.memory_space<vmem>> -> memref<40xi32, #tpu.memory_space<vmem>>
      %dma_wait3A_254 = arith.constant 0 : i32
      %dma_wait3A_255 = arith.constant 0 : i32
      %dma_wait3A_256 = tpu.memref_slice %arg17[%dma_wait3A_254, %dma_wait3A_255] : memref<512x128xf32, #tpu.memory_space<vmem_shared>> -> memref<512x128xf32, #tpu.memory_space<vmem_shared>>
      tpu.wait_indirect_dma semaphore(%arg28 : memref<!tpu.dma_semaphore, #tpu.memory_space<semaphore_mem>>) src(%arg6 : memref<40x128xf32, #tpu.memory_space<vmem>>) dst(%dma_wait3A_256 : memref<512x128xf32, #tpu.memory_space<vmem_shared>>)
      %add3A_257 = arith.constant 1 : i32
      %add3A_258 = arith.addi %add3A_108, %add3A_257 : i32
      %lt3A = arith.constant 25 : i32
      %lt3A_259 = arith.cmpi slt, %add3A_258, %lt3A : i32
      %convert_element_type3A = arith.extui %lt3A_259 : i1 to i32
      %cond3A = arith.constant 0 : i32
      %cond3A_260 = arith.cmpi ne, %convert_element_type3A, %cond3A : i32
      scf.if %cond3A_260 {
        %add3A_378 = arith.constant 10 : i32
        %add3A_379 = arith.addi %mul3A_110, %add3A_378 : i32
        %add3A_380 = arith.constant 0 : i32
        %add3A_381 = arith.addi %add3A_379, %add3A_380 : i32
        %mul3A_382 = arith.constant 40 : i32
        %mul3A_383 = arith.muli %add3A_381, %mul3A_382 : i32
        %add3A_384 = arith.addi %mul3A_2, %mul3A_383 : i32
        %dma_start3A_385 = arith.constant 0 : i32
        %dma_start3A_386 = tpu.memref_slice %arg2[%add3A_384, %dma_start3A_385] : memref<320000x128xf32, #tpu.memory_space<hbm>> -> memref<40x128xf32, #tpu.memory_space<hbm>>
        %dma_start3A_387 = arith.constant 0 : i32
        %dma_start3A_388 = tpu.memref_slice %arg2[%add3A_384, %dma_start3A_387] : memref<320000x128xf32, #tpu.memory_space<hbm>> -> memref<40x128xf32, #tpu.memory_space<hbm>>
        tpu.enqueue_dma source(%dma_start3A_388 : memref<40x128xf32, #tpu.memory_space<hbm>>) target(%arg6 : memref<40x128xf32, #tpu.memory_space<vmem>>) target_semaphore(%arg18 : memref<!tpu.dma_semaphore, #tpu.memory_space<semaphore_mem>>)
      } else {
      }
      %dma_wait3A_261 = arith.constant 0 : i32
      %dma_wait3A_262 = tpu.memref_slice %arg5[%add3A_132, %dma_wait3A_261] : memref<250x40xi32, #tpu.memory_space<vmem>> -> memref<1x40xi32, #tpu.memory_space<vmem>>
      %dma_wait3A_263 = tpu.memref_squeeze %dma_wait3A_262 : memref<1x40xi32, #tpu.memory_space<vmem>> -> memref<40xi32, #tpu.memory_space<vmem>>
      %dma_wait3A_264 = arith.constant 0 : i32
      %dma_wait3A_265 = arith.constant 0 : i32
      %dma_wait3A_266 = tpu.memref_slice %arg17[%dma_wait3A_264, %dma_wait3A_265] : memref<512x128xf32, #tpu.memory_space<vmem_shared>> -> memref<512x128xf32, #tpu.memory_space<vmem_shared>>
      tpu.wait_indirect_dma semaphore(%arg29 : memref<!tpu.dma_semaphore, #tpu.memory_space<semaphore_mem>>) src(%arg7 : memref<40x128xf32, #tpu.memory_space<vmem>>) dst(%dma_wait3A_266 : memref<512x128xf32, #tpu.memory_space<vmem_shared>>)
      %add3A_267 = arith.constant 1 : i32
      %add3A_268 = arith.addi %add3A_108, %add3A_267 : i32
      %lt3A_269 = arith.constant 25 : i32
      %lt3A_270 = arith.cmpi slt, %add3A_268, %lt3A_269 : i32
      %convert_element_type3A_271 = arith.extui %lt3A_270 : i1 to i32
      %cond3A_272 = arith.constant 0 : i32
      %cond3A_273 = arith.cmpi ne, %convert_element_type3A_271, %cond3A_272 : i32
      scf.if %cond3A_273 {
        %add3A_378 = arith.constant 10 : i32
        %add3A_379 = arith.addi %mul3A_110, %add3A_378 : i32
        %add3A_380 = arith.constant 1 : i32
        %add3A_381 = arith.addi %add3A_379, %add3A_380 : i32
        %mul3A_382 = arith.constant 40 : i32
        %mul3A_383 = arith.muli %add3A_381, %mul3A_382 : i32
        %add3A_384 = arith.addi %mul3A_2, %mul3A_383 : i32
        %dma_start3A_385 = arith.constant 0 : i32
        %dma_start3A_386 = tpu.memref_slice %arg2[%add3A_384, %dma_start3A_385] : memref<320000x128xf32, #tpu.memory_space<hbm>> -> memref<40x128xf32, #tpu.memory_space<hbm>>
        %dma_start3A_387 = arith.constant 0 : i32
        %dma_start3A_388 = tpu.memref_slice %arg2[%add3A_384, %dma_start3A_387] : memref<320000x128xf32, #tpu.memory_space<hbm>> -> memref<40x128xf32, #tpu.memory_space<hbm>>
        tpu.enqueue_dma source(%dma_start3A_388 : memref<40x128xf32, #tpu.memory_space<hbm>>) target(%arg7 : memref<40x128xf32, #tpu.memory_space<vmem>>) target_semaphore(%arg19 : memref<!tpu.dma_semaphore, #tpu.memory_space<semaphore_mem>>)
      } else {
      }
      %dma_wait3A_274 = arith.constant 0 : i32
      %dma_wait3A_275 = tpu.memref_slice %arg5[%add3A_146, %dma_wait3A_274] : memref<250x40xi32, #tpu.memory_space<vmem>> -> memref<1x40xi32, #tpu.memory_space<vmem>>
      %dma_wait3A_276 = tpu.memref_squeeze %dma_wait3A_275 : memref<1x40xi32, #tpu.memory_space<vmem>> -> memref<40xi32, #tpu.memory_space<vmem>>
      %dma_wait3A_277 = arith.constant 0 : i32
      %dma_wait3A_278 = arith.constant 0 : i32
      %dma_wait3A_279 = tpu.memref_slice %arg17[%dma_wait3A_277, %dma_wait3A_278] : memref<512x128xf32, #tpu.memory_space<vmem_shared>> -> memref<512x128xf32, #tpu.memory_space<vmem_shared>>
      tpu.wait_indirect_dma semaphore(%arg30 : memref<!tpu.dma_semaphore, #tpu.memory_space<semaphore_mem>>) src(%arg8 : memref<40x128xf32, #tpu.memory_space<vmem>>) dst(%dma_wait3A_279 : memref<512x128xf32, #tpu.memory_space<vmem_shared>>)
      %add3A_280 = arith.constant 1 : i32
      %add3A_281 = arith.addi %add3A_108, %add3A_280 : i32
      %lt3A_282 = arith.constant 25 : i32
      %lt3A_283 = arith.cmpi slt, %add3A_281, %lt3A_282 : i32
      %convert_element_type3A_284 = arith.extui %lt3A_283 : i1 to i32
      %cond3A_285 = arith.constant 0 : i32
      %cond3A_286 = arith.cmpi ne, %convert_element_type3A_284, %cond3A_285 : i32
      scf.if %cond3A_286 {
        %add3A_378 = arith.constant 10 : i32
        %add3A_379 = arith.addi %mul3A_110, %add3A_378 : i32
        %add3A_380 = arith.constant 2 : i32
        %add3A_381 = arith.addi %add3A_379, %add3A_380 : i32
        %mul3A_382 = arith.constant 40 : i32
        %mul3A_383 = arith.muli %add3A_381, %mul3A_382 : i32
        %add3A_384 = arith.addi %mul3A_2, %mul3A_383 : i32
        %dma_start3A_385 = arith.constant 0 : i32
        %dma_start3A_386 = tpu.memref_slice %arg2[%add3A_384, %dma_start3A_385] : memref<320000x128xf32, #tpu.memory_space<hbm>> -> memref<40x128xf32, #tpu.memory_space<hbm>>
        %dma_start3A_387 = arith.constant 0 : i32
        %dma_start3A_388 = tpu.memref_slice %arg2[%add3A_384, %dma_start3A_387] : memref<320000x128xf32, #tpu.memory_space<hbm>> -> memref<40x128xf32, #tpu.memory_space<hbm>>
        tpu.enqueue_dma source(%dma_start3A_388 : memref<40x128xf32, #tpu.memory_space<hbm>>) target(%arg8 : memref<40x128xf32, #tpu.memory_space<vmem>>) target_semaphore(%arg20 : memref<!tpu.dma_semaphore, #tpu.memory_space<semaphore_mem>>)
      } else {
      }
      %dma_wait3A_287 = arith.constant 0 : i32
      %dma_wait3A_288 = tpu.memref_slice %arg5[%add3A_160, %dma_wait3A_287] : memref<250x40xi32, #tpu.memory_space<vmem>> -> memref<1x40xi32, #tpu.memory_space<vmem>>
      %dma_wait3A_289 = tpu.memref_squeeze %dma_wait3A_288 : memref<1x40xi32, #tpu.memory_space<vmem>> -> memref<40xi32, #tpu.memory_space<vmem>>
      %dma_wait3A_290 = arith.constant 0 : i32
      %dma_wait3A_291 = arith.constant 0 : i32
      %dma_wait3A_292 = tpu.memref_slice %arg17[%dma_wait3A_290, %dma_wait3A_291] : memref<512x128xf32, #tpu.memory_space<vmem_shared>> -> memref<512x128xf32, #tpu.memory_space<vmem_shared>>
      tpu.wait_indirect_dma semaphore(%arg31 : memref<!tpu.dma_semaphore, #tpu.memory_space<semaphore_mem>>) src(%arg9 : memref<40x128xf32, #tpu.memory_space<vmem>>) dst(%dma_wait3A_292 : memref<512x128xf32, #tpu.memory_space<vmem_shared>>)
      %add3A_293 = arith.constant 1 : i32
      %add3A_294 = arith.addi %add3A_108, %add3A_293 : i32
      %lt3A_295 = arith.constant 25 : i32
      %lt3A_296 = arith.cmpi slt, %add3A_294, %lt3A_295 : i32
      %convert_element_type3A_297 = arith.extui %lt3A_296 : i1 to i32
      %cond3A_298 = arith.constant 0 : i32
      %cond3A_299 = arith.cmpi ne, %convert_element_type3A_297, %cond3A_298 : i32
      scf.if %cond3A_299 {
        %add3A_378 = arith.constant 10 : i32
        %add3A_379 = arith.addi %mul3A_110, %add3A_378 : i32
        %add3A_380 = arith.constant 3 : i32
        %add3A_381 = arith.addi %add3A_379, %add3A_380 : i32
        %mul3A_382 = arith.constant 40 : i32
        %mul3A_383 = arith.muli %add3A_381, %mul3A_382 : i32
        %add3A_384 = arith.addi %mul3A_2, %mul3A_383 : i32
        %dma_start3A_385 = arith.constant 0 : i32
        %dma_start3A_386 = tpu.memref_slice %arg2[%add3A_384, %dma_start3A_385] : memref<320000x128xf32, #tpu.memory_space<hbm>> -> memref<40x128xf32, #tpu.memory_space<hbm>>
        %dma_start3A_387 = arith.constant 0 : i32
        %dma_start3A_388 = tpu.memref_slice %arg2[%add3A_384, %dma_start3A_387] : memref<320000x128xf32, #tpu.memory_space<hbm>> -> memref<40x128xf32, #tpu.memory_space<hbm>>
        tpu.enqueue_dma source(%dma_start3A_388 : memref<40x128xf32, #tpu.memory_space<hbm>>) target(%arg9 : memref<40x128xf32, #tpu.memory_space<vmem>>) target_semaphore(%arg21 : memref<!tpu.dma_semaphore, #tpu.memory_space<semaphore_mem>>)
      } else {
      }
      %dma_wait3A_300 = arith.constant 0 : i32
      %dma_wait3A_301 = tpu.memref_slice %arg5[%add3A_174, %dma_wait3A_300] : memref<250x40xi32, #tpu.memory_space<vmem>> -> memref<1x40xi32, #tpu.memory_space<vmem>>
      %dma_wait3A_302 = tpu.memref_squeeze %dma_wait3A_301 : memref<1x40xi32, #tpu.memory_space<vmem>> -> memref<40xi32, #tpu.memory_space<vmem>>
      %dma_wait3A_303 = arith.constant 0 : i32
      %dma_wait3A_304 = arith.constant 0 : i32
      %dma_wait3A_305 = tpu.memref_slice %arg17[%dma_wait3A_303, %dma_wait3A_304] : memref<512x128xf32, #tpu.memory_space<vmem_shared>> -> memref<512x128xf32, #tpu.memory_space<vmem_shared>>
      tpu.wait_indirect_dma semaphore(%arg32 : memref<!tpu.dma_semaphore, #tpu.memory_space<semaphore_mem>>) src(%arg10 : memref<40x128xf32, #tpu.memory_space<vmem>>) dst(%dma_wait3A_305 : memref<512x128xf32, #tpu.memory_space<vmem_shared>>)
      %add3A_306 = arith.constant 1 : i32
      %add3A_307 = arith.addi %add3A_108, %add3A_306 : i32
      %lt3A_308 = arith.constant 25 : i32
      %lt3A_309 = arith.cmpi slt, %add3A_307, %lt3A_308 : i32
      %convert_element_type3A_310 = arith.extui %lt3A_309 : i1 to i32
      %cond3A_311 = arith.constant 0 : i32
      %cond3A_312 = arith.cmpi ne, %convert_element_type3A_310, %cond3A_311 : i32
      scf.if %cond3A_312 {
        %add3A_378 = arith.constant 10 : i32
        %add3A_379 = arith.addi %mul3A_110, %add3A_378 : i32
        %add3A_380 = arith.constant 4 : i32
        %add3A_381 = arith.addi %add3A_379, %add3A_380 : i32
        %mul3A_382 = arith.constant 40 : i32
        %mul3A_383 = arith.muli %add3A_381, %mul3A_382 : i32
        %add3A_384 = arith.addi %mul3A_2, %mul3A_383 : i32
        %dma_start3A_385 = arith.constant 0 : i32
        %dma_start3A_386 = tpu.memref_slice %arg2[%add3A_384, %dma_start3A_385] : memref<320000x128xf32, #tpu.memory_space<hbm>> -> memref<40x128xf32, #tpu.memory_space<hbm>>
        %dma_start3A_387 = arith.constant 0 : i32
        %dma_start3A_388 = tpu.memref_slice %arg2[%add3A_384, %dma_start3A_387] : memref<320000x128xf32, #tpu.memory_space<hbm>> -> memref<40x128xf32, #tpu.memory_space<hbm>>
        tpu.enqueue_dma source(%dma_start3A_388 : memref<40x128xf32, #tpu.memory_space<hbm>>) target(%arg10 : memref<40x128xf32, #tpu.memory_space<vmem>>) target_semaphore(%arg22 : memref<!tpu.dma_semaphore, #tpu.memory_space<semaphore_mem>>)
      } else {
      }
      %dma_wait3A_313 = arith.constant 0 : i32
      %dma_wait3A_314 = tpu.memref_slice %arg5[%add3A_188, %dma_wait3A_313] : memref<250x40xi32, #tpu.memory_space<vmem>> -> memref<1x40xi32, #tpu.memory_space<vmem>>
      %dma_wait3A_315 = tpu.memref_squeeze %dma_wait3A_314 : memref<1x40xi32, #tpu.memory_space<vmem>> -> memref<40xi32, #tpu.memory_space<vmem>>
      %dma_wait3A_316 = arith.constant 0 : i32
      %dma_wait3A_317 = arith.constant 0 : i32
      %dma_wait3A_318 = tpu.memref_slice %arg17[%dma_wait3A_316, %dma_wait3A_317] : memref<512x128xf32, #tpu.memory_space<vmem_shared>> -> memref<512x128xf32, #tpu.memory_space<vmem_shared>>
      tpu.wait_indirect_dma semaphore(%arg33 : memref<!tpu.dma_semaphore, #tpu.memory_space<semaphore_mem>>) src(%arg11 : memref<40x128xf32, #tpu.memory_space<vmem>>) dst(%dma_wait3A_318 : memref<512x128xf32, #tpu.memory_space<vmem_shared>>)
      %add3A_319 = arith.constant 1 : i32
      %add3A_320 = arith.addi %add3A_108, %add3A_319 : i32
      %lt3A_321 = arith.constant 25 : i32
      %lt3A_322 = arith.cmpi slt, %add3A_320, %lt3A_321 : i32
      %convert_element_type3A_323 = arith.extui %lt3A_322 : i1 to i32
      %cond3A_324 = arith.constant 0 : i32
      %cond3A_325 = arith.cmpi ne, %convert_element_type3A_323, %cond3A_324 : i32
      scf.if %cond3A_325 {
        %add3A_378 = arith.constant 10 : i32
        %add3A_379 = arith.addi %mul3A_110, %add3A_378 : i32
        %add3A_380 = arith.constant 5 : i32
        %add3A_381 = arith.addi %add3A_379, %add3A_380 : i32
        %mul3A_382 = arith.constant 40 : i32
        %mul3A_383 = arith.muli %add3A_381, %mul3A_382 : i32
        %add3A_384 = arith.addi %mul3A_2, %mul3A_383 : i32
        %dma_start3A_385 = arith.constant 0 : i32
        %dma_start3A_386 = tpu.memref_slice %arg2[%add3A_384, %dma_start3A_385] : memref<320000x128xf32, #tpu.memory_space<hbm>> -> memref<40x128xf32, #tpu.memory_space<hbm>>
        %dma_start3A_387 = arith.constant 0 : i32
        %dma_start3A_388 = tpu.memref_slice %arg2[%add3A_384, %dma_start3A_387] : memref<320000x128xf32, #tpu.memory_space<hbm>> -> memref<40x128xf32, #tpu.memory_space<hbm>>
        tpu.enqueue_dma source(%dma_start3A_388 : memref<40x128xf32, #tpu.memory_space<hbm>>) target(%arg11 : memref<40x128xf32, #tpu.memory_space<vmem>>) target_semaphore(%arg23 : memref<!tpu.dma_semaphore, #tpu.memory_space<semaphore_mem>>)
      } else {
      }
      %dma_wait3A_326 = arith.constant 0 : i32
      %dma_wait3A_327 = tpu.memref_slice %arg5[%add3A_202, %dma_wait3A_326] : memref<250x40xi32, #tpu.memory_space<vmem>> -> memref<1x40xi32, #tpu.memory_space<vmem>>
      %dma_wait3A_328 = tpu.memref_squeeze %dma_wait3A_327 : memref<1x40xi32, #tpu.memory_space<vmem>> -> memref<40xi32, #tpu.memory_space<vmem>>
      %dma_wait3A_329 = arith.constant 0 : i32
      %dma_wait3A_330 = arith.constant 0 : i32
      %dma_wait3A_331 = tpu.memref_slice %arg17[%dma_wait3A_329, %dma_wait3A_330] : memref<512x128xf32, #tpu.memory_space<vmem_shared>> -> memref<512x128xf32, #tpu.memory_space<vmem_shared>>
      tpu.wait_indirect_dma semaphore(%arg34 : memref<!tpu.dma_semaphore, #tpu.memory_space<semaphore_mem>>) src(%arg12 : memref<40x128xf32, #tpu.memory_space<vmem>>) dst(%dma_wait3A_331 : memref<512x128xf32, #tpu.memory_space<vmem_shared>>)
      %add3A_332 = arith.constant 1 : i32
      %add3A_333 = arith.addi %add3A_108, %add3A_332 : i32
      %lt3A_334 = arith.constant 25 : i32
      %lt3A_335 = arith.cmpi slt, %add3A_333, %lt3A_334 : i32
      %convert_element_type3A_336 = arith.extui %lt3A_335 : i1 to i32
      %cond3A_337 = arith.constant 0 : i32
      %cond3A_338 = arith.cmpi ne, %convert_element_type3A_336, %cond3A_337 : i32
      scf.if %cond3A_338 {
        %add3A_378 = arith.constant 10 : i32
        %add3A_379 = arith.addi %mul3A_110, %add3A_378 : i32
        %add3A_380 = arith.constant 6 : i32
        %add3A_381 = arith.addi %add3A_379, %add3A_380 : i32
        %mul3A_382 = arith.constant 40 : i32
        %mul3A_383 = arith.muli %add3A_381, %mul3A_382 : i32
        %add3A_384 = arith.addi %mul3A_2, %mul3A_383 : i32
        %dma_start3A_385 = arith.constant 0 : i32
        %dma_start3A_386 = tpu.memref_slice %arg2[%add3A_384, %dma_start3A_385] : memref<320000x128xf32, #tpu.memory_space<hbm>> -> memref<40x128xf32, #tpu.memory_space<hbm>>
        %dma_start3A_387 = arith.constant 0 : i32
        %dma_start3A_388 = tpu.memref_slice %arg2[%add3A_384, %dma_start3A_387] : memref<320000x128xf32, #tpu.memory_space<hbm>> -> memref<40x128xf32, #tpu.memory_space<hbm>>
        tpu.enqueue_dma source(%dma_start3A_388 : memref<40x128xf32, #tpu.memory_space<hbm>>) target(%arg12 : memref<40x128xf32, #tpu.memory_space<vmem>>) target_semaphore(%arg24 : memref<!tpu.dma_semaphore, #tpu.memory_space<semaphore_mem>>)
      } else {
      }
      %dma_wait3A_339 = arith.constant 0 : i32
      %dma_wait3A_340 = tpu.memref_slice %arg5[%add3A_216, %dma_wait3A_339] : memref<250x40xi32, #tpu.memory_space<vmem>> -> memref<1x40xi32, #tpu.memory_space<vmem>>
      %dma_wait3A_341 = tpu.memref_squeeze %dma_wait3A_340 : memref<1x40xi32, #tpu.memory_space<vmem>> -> memref<40xi32, #tpu.memory_space<vmem>>
      %dma_wait3A_342 = arith.constant 0 : i32
      %dma_wait3A_343 = arith.constant 0 : i32
      %dma_wait3A_344 = tpu.memref_slice %arg17[%dma_wait3A_342, %dma_wait3A_343] : memref<512x128xf32, #tpu.memory_space<vmem_shared>> -> memref<512x128xf32, #tpu.memory_space<vmem_shared>>
      tpu.wait_indirect_dma semaphore(%arg35 : memref<!tpu.dma_semaphore, #tpu.memory_space<semaphore_mem>>) src(%arg13 : memref<40x128xf32, #tpu.memory_space<vmem>>) dst(%dma_wait3A_344 : memref<512x128xf32, #tpu.memory_space<vmem_shared>>)
      %add3A_345 = arith.constant 1 : i32
      %add3A_346 = arith.addi %add3A_108, %add3A_345 : i32
      %lt3A_347 = arith.constant 25 : i32
      %lt3A_348 = arith.cmpi slt, %add3A_346, %lt3A_347 : i32
      %convert_element_type3A_349 = arith.extui %lt3A_348 : i1 to i32
      %cond3A_350 = arith.constant 0 : i32
      %cond3A_351 = arith.cmpi ne, %convert_element_type3A_349, %cond3A_350 : i32
      scf.if %cond3A_351 {
        %add3A_378 = arith.constant 10 : i32
        %add3A_379 = arith.addi %mul3A_110, %add3A_378 : i32
        %add3A_380 = arith.constant 7 : i32
        %add3A_381 = arith.addi %add3A_379, %add3A_380 : i32
        %mul3A_382 = arith.constant 40 : i32
        %mul3A_383 = arith.muli %add3A_381, %mul3A_382 : i32
        %add3A_384 = arith.addi %mul3A_2, %mul3A_383 : i32
        %dma_start3A_385 = arith.constant 0 : i32
        %dma_start3A_386 = tpu.memref_slice %arg2[%add3A_384, %dma_start3A_385] : memref<320000x128xf32, #tpu.memory_space<hbm>> -> memref<40x128xf32, #tpu.memory_space<hbm>>
        %dma_start3A_387 = arith.constant 0 : i32
        %dma_start3A_388 = tpu.memref_slice %arg2[%add3A_384, %dma_start3A_387] : memref<320000x128xf32, #tpu.memory_space<hbm>> -> memref<40x128xf32, #tpu.memory_space<hbm>>
        tpu.enqueue_dma source(%dma_start3A_388 : memref<40x128xf32, #tpu.memory_space<hbm>>) target(%arg13 : memref<40x128xf32, #tpu.memory_space<vmem>>) target_semaphore(%arg25 : memref<!tpu.dma_semaphore, #tpu.memory_space<semaphore_mem>>)
      } else {
      }
      %dma_wait3A_352 = arith.constant 0 : i32
      %dma_wait3A_353 = tpu.memref_slice %arg5[%add3A_230, %dma_wait3A_352] : memref<250x40xi32, #tpu.memory_space<vmem>> -> memref<1x40xi32, #tpu.memory_space<vmem>>
      %dma_wait3A_354 = tpu.memref_squeeze %dma_wait3A_353 : memref<1x40xi32, #tpu.memory_space<vmem>> -> memref<40xi32, #tpu.memory_space<vmem>>
      %dma_wait3A_355 = arith.constant 0 : i32
      %dma_wait3A_356 = arith.constant 0 : i32
      %dma_wait3A_357 = tpu.memref_slice %arg17[%dma_wait3A_355, %dma_wait3A_356] : memref<512x128xf32, #tpu.memory_space<vmem_shared>> -> memref<512x128xf32, #tpu.memory_space<vmem_shared>>
      tpu.wait_indirect_dma semaphore(%arg36 : memref<!tpu.dma_semaphore, #tpu.memory_space<semaphore_mem>>) src(%arg14 : memref<40x128xf32, #tpu.memory_space<vmem>>) dst(%dma_wait3A_357 : memref<512x128xf32, #tpu.memory_space<vmem_shared>>)
      %add3A_358 = arith.constant 1 : i32
      %add3A_359 = arith.addi %add3A_108, %add3A_358 : i32
      %lt3A_360 = arith.constant 25 : i32
      %lt3A_361 = arith.cmpi slt, %add3A_359, %lt3A_360 : i32
      %convert_element_type3A_362 = arith.extui %lt3A_361 : i1 to i32
      %cond3A_363 = arith.constant 0 : i32
      %cond3A_364 = arith.cmpi ne, %convert_element_type3A_362, %cond3A_363 : i32
      scf.if %cond3A_364 {
        %add3A_378 = arith.constant 10 : i32
        %add3A_379 = arith.addi %mul3A_110, %add3A_378 : i32
        %add3A_380 = arith.constant 8 : i32
        %add3A_381 = arith.addi %add3A_379, %add3A_380 : i32
        %mul3A_382 = arith.constant 40 : i32
        %mul3A_383 = arith.muli %add3A_381, %mul3A_382 : i32
        %add3A_384 = arith.addi %mul3A_2, %mul3A_383 : i32
        %dma_start3A_385 = arith.constant 0 : i32
        %dma_start3A_386 = tpu.memref_slice %arg2[%add3A_384, %dma_start3A_385] : memref<320000x128xf32, #tpu.memory_space<hbm>> -> memref<40x128xf32, #tpu.memory_space<hbm>>
        %dma_start3A_387 = arith.constant 0 : i32
        %dma_start3A_388 = tpu.memref_slice %arg2[%add3A_384, %dma_start3A_387] : memref<320000x128xf32, #tpu.memory_space<hbm>> -> memref<40x128xf32, #tpu.memory_space<hbm>>
        tpu.enqueue_dma source(%dma_start3A_388 : memref<40x128xf32, #tpu.memory_space<hbm>>) target(%arg14 : memref<40x128xf32, #tpu.memory_space<vmem>>) target_semaphore(%arg26 : memref<!tpu.dma_semaphore, #tpu.memory_space<semaphore_mem>>)
      } else {
      }
      %dma_wait3A_365 = arith.constant 0 : i32
      %dma_wait3A_366 = tpu.memref_slice %arg5[%add3A_244, %dma_wait3A_365] : memref<250x40xi32, #tpu.memory_space<vmem>> -> memref<1x40xi32, #tpu.memory_space<vmem>>
      %dma_wait3A_367 = tpu.memref_squeeze %dma_wait3A_366 : memref<1x40xi32, #tpu.memory_space<vmem>> -> memref<40xi32, #tpu.memory_space<vmem>>
      %dma_wait3A_368 = arith.constant 0 : i32
      %dma_wait3A_369 = arith.constant 0 : i32
      %dma_wait3A_370 = tpu.memref_slice %arg17[%dma_wait3A_368, %dma_wait3A_369] : memref<512x128xf32, #tpu.memory_space<vmem_shared>> -> memref<512x128xf32, #tpu.memory_space<vmem_shared>>
      tpu.wait_indirect_dma semaphore(%arg37 : memref<!tpu.dma_semaphore, #tpu.memory_space<semaphore_mem>>) src(%arg15 : memref<40x128xf32, #tpu.memory_space<vmem>>) dst(%dma_wait3A_370 : memref<512x128xf32, #tpu.memory_space<vmem_shared>>)
      %add3A_371 = arith.constant 1 : i32
      %add3A_372 = arith.addi %add3A_108, %add3A_371 : i32
      %lt3A_373 = arith.constant 25 : i32
      %lt3A_374 = arith.cmpi slt, %add3A_372, %lt3A_373 : i32
      %convert_element_type3A_375 = arith.extui %lt3A_374 : i1 to i32
      %cond3A_376 = arith.constant 0 : i32
      %cond3A_377 = arith.cmpi ne, %convert_element_type3A_375, %cond3A_376 : i32
      scf.if %cond3A_377 {
        %add3A_378 = arith.constant 10 : i32
        %add3A_379 = arith.addi %mul3A_110, %add3A_378 : i32
        %add3A_380 = arith.constant 9 : i32
        %add3A_381 = arith.addi %add3A_379, %add3A_380 : i32
        %mul3A_382 = arith.constant 40 : i32
        %mul3A_383 = arith.muli %add3A_381, %mul3A_382 : i32
        %add3A_384 = arith.addi %mul3A_2, %mul3A_383 : i32
        %dma_start3A_385 = arith.constant 0 : i32
        %dma_start3A_386 = tpu.memref_slice %arg2[%add3A_384, %dma_start3A_385] : memref<320000x128xf32, #tpu.memory_space<hbm>> -> memref<40x128xf32, #tpu.memory_space<hbm>>
        %dma_start3A_387 = arith.constant 0 : i32
        %dma_start3A_388 = tpu.memref_slice %arg2[%add3A_384, %dma_start3A_387] : memref<320000x128xf32, #tpu.memory_space<hbm>> -> memref<40x128xf32, #tpu.memory_space<hbm>>
        tpu.enqueue_dma source(%dma_start3A_388 : memref<40x128xf32, #tpu.memory_space<hbm>>) target(%arg15 : memref<40x128xf32, #tpu.memory_space<vmem>>) target_semaphore(%arg27 : memref<!tpu.dma_semaphore, #tpu.memory_space<semaphore_mem>>)
      } else {
      }
    }
    %scan3A_88 = arith.constant 25 : i32
    %barrier3A_89 = arith.constant 0 : index
    tpu.barrier barrier_id(%barrier3A_89)
    %mul3A_90 = arith.constant 32 : i32
    %mul3A_91 = arith.muli %arg1, %mul3A_90 : i32
    %mul3A_92 = arith.constant 32 : i32
    %mul3A_93 = arith.muli %arg1, %mul3A_92 : i32
    %dma_start3A_94 = arith.constant 0 : i32
    %dma_start3A_95 = tpu.memref_slice %arg4[%arg0, %mul3A_93, %dma_start3A_94] : memref<2x512x128xf32, #tpu.memory_space<hbm>> -> memref<1x32x128xf32, #tpu.memory_space<hbm>>
    %dma_start3A_96 = tpu.memref_squeeze %dma_start3A_95 : memref<1x32x128xf32, #tpu.memory_space<hbm>> -> memref<32x128xf32, #tpu.memory_space<hbm>>
    %dma_start3A_97 = arith.constant 0 : i32
    %dma_start3A_98 = tpu.memref_slice %arg17[%mul3A_91, %dma_start3A_97] : memref<512x128xf32, #tpu.memory_space<vmem_shared>> -> memref<32x128xf32, #tpu.memory_space<vmem_shared>>
    tpu.enqueue_dma source(%dma_start3A_98 : memref<32x128xf32, #tpu.memory_space<vmem_shared>>) target(%dma_start3A_96 : memref<32x128xf32, #tpu.memory_space<hbm>>) target_semaphore(%arg38 : memref<!tpu.dma_semaphore, #tpu.memory_space<semaphore_mem>>)
    %dma_wait3A_99 = arith.constant 0 : i32
    %dma_wait3A_100 = tpu.memref_slice %arg4[%arg0, %mul3A_93, %dma_wait3A_99] : memref<2x512x128xf32, #tpu.memory_space<hbm>> -> memref<1x32x128xf32, #tpu.memory_space<hbm>>
    %dma_wait3A_101 = tpu.memref_squeeze %dma_wait3A_100 : memref<1x32x128xf32, #tpu.memory_space<hbm>> -> memref<32x128xf32, #tpu.memory_space<hbm>>
    %dma_wait3A_102 = arith.constant 0 : i32
    %dma_wait3A_103 = tpu.memref_slice %arg17[%mul3A_91, %dma_wait3A_102] : memref<512x128xf32, #tpu.memory_space<vmem_shared>> -> memref<32x128xf32, #tpu.memory_space<vmem_shared>>
    tpu.wait_dma2 semaphore(%arg38 : memref<!tpu.dma_semaphore, #tpu.memory_space<semaphore_mem>>) src(%dma_wait3A_103 : memref<32x128xf32, #tpu.memory_space<vmem_shared>>) dst(%dma_wait3A_101 : memref<32x128xf32, #tpu.memory_space<hbm>>)
    return
  }
}

</mosaic_0001>

<sc_bundles>
// kernel: kernel.3.cloned.1.call-start
scs
__scs_entry_jumppad:
0x0: {  	(pc) =	sbr.rel $0x88, $3  }
0x1: {  	(tag) =	ssettag $0x0;
	lr =	simm.s32 $0x1  }
0x2: {  	[smem:$0x3F9E] =	sst lr;
	_ =	strace $0xD0000000  }
0x3: {  	_ = 	snop  }
0x4: {  	_ = 	snop  }
0x5: {  	_ = 	snop  }
0x6: {  	_ = 	snop  }
0x7: {  	_ = 	snop  }
__scs_overlays_trampoline_lowered:
0x8: {  	[smem:$0x3FAD] =	sst s0  }
0x9: {  	[smem:$0x3FAE] =	sst s1  }
0xa: {  	[smem:$0x3FAF] =	sst s2  }
0xb: {  	[smem:$0x3FB0] =	sst s3  }
0xc: {  	[smem:$0x3FB1] =	sst s4  }
0xd: {  	[smem:$0x3FB2] =	sst s5  }
0xe: {  	[smem:$0x3FB3] =	sst s6  }
0xf: {  	[smem:$0x3FB4] =	sst s7  }
0x10: {  	[smem:$0x3FB5] =	sst s8  }
0x11: {  	[smem:$0x3FB6] =	sst s9;
	s0 =	simm.s32 @!p0 $0x0  }
0x12: {  	s1 =	sld [smem:$0x3F9C];
	s0 =	simm.s32 @p0 $0x1  }
0x13: {  	[smem:$0x3FB7] =	sst s0;
	s0 =	simm.s32 @!p1 $0x0  }
0x14: {  	s2 =	sld [smem:$0x3F9B];
	s0 =	simm.s32 @p1 $0x1  }
0x15: {  	[smem:$0x3FB8] =	sst s0;
	s0 =	simm.s32 @!p2 $0x0  }
0x16: {  	s3 =	sld [smem:$0x3FDB];
	s0 =	simm.s32 @p2 $0x1  }
0x17: {  	s4 =	simm.s32 $0x1BF5;
	[smem:$0x3FBA] =	sst s0  }
0x18: {  	s0 =	sld [smem:$0x3F9D];
	_ =	swait.ge [sflag:s4], $0x0  }
0x19: {  	s7 =	sld [smem:$0x3F9E]  }
0x1a: {  	s8 =	sadd.s32 $0xFFFFE003, lr  }
0x1b: {  	s9 =	sadd.s32 $0xFFFFFEF7, lr;
	s5 =	simm.s32 $0xFFFFFFFF;
	p2 =	slt.u32 s8, $0xFFFFF086  }
0x1c: {  	p1 =	slt.u32 s9, $0xF7A;
	s5 =	simm.s32 @!p2 $0x0  }
0x1d: {  	s5 =	simm.s32 @p1 $0x1;
	p0 =	seq.s32 s7, s2  }
0x1e: {  	s7 =	smul.u32 @!p0 $0xF7A, s2;
	p2 =	seq.s32 @!p0 s5, $0x0  }
0x1f: {  	s9 =	smul.u32 $0xF7A, s1;
	s8 =	simm.s32 @!p0 $0x1BF5;
	p2 =	por !p2, p0  }
0x20: {  	[sflag:s8] =	ssyncset.s32 @!p0 $0xFFFFF086;
	s6 =	sadd.s32 @!p0 s3, s7;
	s7 =	simm.s32 @!p0 $0x108  }
0x21: {  	s3 =	sadd.s32 s3, s9;
	s6 =	sadd.s32 @!p0 $0x88, s6;
	s7 =	simm.s32 @p2 $0x1082  }
0x22: {  	[simem:s7], [sflag:s8] =	dma.local @!p0 [hbm:s6], $0xF7A  }
0x23: {  	s9 =	sor.u32 $0xD0000000, s2;
	s6 =	simm.s32 $0x108;
	_ =	swait.ge @!p0 [sflag:s8], $0x0  }
0x24: {  	s3 =	sadd.s32 $0x88, s3;
	s6 =	simm.s32 @!p1 $0x1082;
	[sflag:s4] =	ssyncset.s32 $0xFFFFF086  }
0x25: {  	[simem:s6], [sflag:s4] =	dma.local [hbm:s3], $0xF7A  }
0x26: {  	[smem:$0x3F9E] =	sst s1;
	(tag) =	ssettag s2;
	_ =	strace s9  }
0x27: {  	s1 =	sld [smem:$0x3FAE]  }
0x28: {  	s2 =	sld [smem:$0x3FAF]  }
0x29: {  	s4 =	sld [smem:$0x3FB1]  }
0x2a: {  	p0 =	seq.s32 s5, $0x0;
	s5 =	sld [smem:$0x3FB2]  }
0x2b: {  	s6 =	sld [smem:$0x3FB3]  }
0x2c: {  	s7 =	sld [smem:$0x3FB4]  }
0x2d: {  	s3 =	simm.s32 $0x108;
	s8 =	sld [smem:$0x3FB5]  }
0x2e: {  	s3 =	simm.s32 @!p0 $0x1082;
	s9 =	sld [smem:$0x3FB6]  }
0x2f: {  	lr =	sadd.s32 s0, s3;
	s0 =	sld [smem:$0x3FAD]  }
0x30: {  	s3 =	sld [smem:$0x3FB0]  }
0x31: {  	[smem:$0x3FB9] =	sst s10  }
0x32: {  	s10 =	sld [smem:$0x3FB7];
	_ =	sdelay $0x3  }
0x33: {  	p0 =	seq.s32 s10, $0x1;
	s10 =	sld [smem:$0x3FB9];
	_ =	sdelay $0x3  }
0x34: {  	[smem:$0x3FB9] =	sst s10  }
0x35: {  	s10 =	sld [smem:$0x3FB8];
	_ =	sdelay $0x3  }
0x36: {  	p1 =	seq.s32 s10, $0x1;
	s10 =	sld [smem:$0x3FB9];
	_ =	sdelay $0x3  }
0x37: {  	[smem:$0x3FB9] =	sst s10  }
0x38: {  	s10 =	sld [smem:$0x3FBA]  }
0x39: {  	_ = 	snop;
	(pc) =	sbr.ind lr, $3  }
0x3a: {  	_ = 	snop  }
0x3b: {  	_ = 	snop  }
0x3c: {  	p2 =	seq.s32 s10, $0x1;
	s10 =	sld [smem:$0x3FB9]  }
0x3d: {  	_ =	shalt  }
0x3e: {  	_ =	shalt  }
0x3f: {  	_ =	shalt  }
0x40: {  	_ =	shalt  }
0x41: {  	_ =	shalt  }
0x42: {  	_ =	shalt  }
0x43: {  	_ =	shalt  }
0x44: {  	_ =	shalt  }
0x45: {  	_ =	shalt  }
0x46: {  	_ =	shalt  }
0x47: {  	_ =	shalt  }
0x48: {  	_ =	shalt  }
0x49: {  	_ =	shalt  }
0x4a: {  	_ =	shalt  }
0x4b: {  	_ =	shalt  }
0x4c: {  	_ =	shalt  }
0x4d: {  	_ =	shalt  }
0x4e: {  	_ =	shalt  }
0x4f: {  	_ =	shalt  }
0x50: {  	_ =	shalt  }
0x51: {  	_ =	shalt  }
0x52: {  	_ =	shalt  }
0x53: {  	_ =	shalt  }
0x54: {  	_ =	shalt  }
0x55: {  	_ =	shalt  }
0x56: {  	_ =	shalt  }
0x57: {  	_ =	shalt  }
0x58: {  	_ =	shalt  }
0x59: {  	_ =	shalt  }
0x5a: {  	_ =	shalt  }
0x5b: {  	_ =	shalt  }
0x5c: {  	_ =	shalt  }
0x5d: {  	_ =	shalt  }
0x5e: {  	_ =	shalt  }
0x5f: {  	_ =	shalt  }
0x60: {  	_ =	shalt  }
0x61: {  	_ =	shalt  }
0x62: {  	_ =	shalt  }
0x63: {  	_ =	shalt  }
0x64: {  	_ =	shalt  }
0x65: {  	_ =	shalt  }
0x66: {  	_ =	shalt  }
0x67: {  	_ =	shalt  }
0x68: {  	_ =	shalt  }
0x69: {  	_ =	shalt  }
0x6a: {  	_ =	shalt  }
0x6b: {  	_ =	shalt  }
0x6c: {  	_ =	shalt  }
0x6d: {  	_ =	shalt  }
0x6e: {  	_ =	shalt  }
0x6f: {  	_ =	shalt  }
0x70: {  	_ =	shalt  }
0x71: {  	_ =	shalt  }
0x72: {  	_ =	shalt  }
0x73: {  	_ =	shalt  }
0x74: {  	_ =	shalt  }
0x75: {  	_ =	shalt  }
0x76: {  	_ =	shalt  }
0x77: {  	_ =	shalt  }
0x78: {  	_ =	shalt  }
0x79: {  	_ =	shalt  }
0x7a: {  	_ =	shalt  }
0x7b: {  	_ =	shalt  }
0x7c: {  	_ =	shalt  }
0x7d: {  	_ =	shalt  }
0x7e: {  	_ =	shalt  }
0x7f: {  	_ =	shalt  }
0x80: {  	_ =	shalt  }
0x81: {  	_ =	shalt  }
0x82: {  	_ =	shalt  }
0x83: {  	_ =	shalt  }
0x84: {  	_ =	shalt  }
0x85: {  	_ =	shalt  }
0x86: {  	_ =	shalt  }
0x87: {  	_ =	shalt  }
.Lfunc_end0:
.L_simem_size_0:
called_computation_lowered:
.L_overlay_start_0:
0x88: {  	s2 =	sld [smem:$0x3FD9]  }
0x89: {  	s3 =	sld [smem:$0x3FFE];
	_ =	sdelay $0x1  }
0x8a: {  	s1 =	srdreg.scid  }
0x8b: {  	s0 =	sand.u32 $0x1, s1  }
0x8c: {  	s17 =	sshll.u32 s0, $0xA;
	s2 =	sadd.s32 s3, s2  }
0x8d: {  	s2 =	sadd.s32 s2, s17  }
0x8e: {  	[smem:$0x3FC5] =	sst s2  }
0x8f: {  	_ = 	snop  }
0x90: {  	s2 =	sld [smem:$0x3FC9];
	(tm) =	ssettm $0x1  }
0x91: {  	s18 =	sld [smem:$0x3FFB];
	_ =	sdelay $0x3  }
0x92: {  	_ =	strace s18  }
0x93: {  	s3 =	sld [smem:$0x3FFC];
	_ =	sdelay $0x3  }
0x94: {  	_ =	strace s3  }
0x95: {  	s3 =	sld [smem:$0x3FFD];
	_ =	sdelay $0x3  }
0x96: {  	_ =	strace s3  }
0x97: {  	_ =	strace $0x8FFFFFFF  }
0x98: {  	s19 =	sld [smem:$0x3FDB];
	_ =	sdelay $0x1  }
0x99: {  	s4 =	simm.s32 $_scs_section_size  }
0x9a: {  	s5 =	simm.s32 $_size__tile_overlayer_lowered;
	s6 =	simm.s32 $_tile_overlayer_lowered  }
0x9b: {  	s22 =	simm.s32 $0x1BFF;
	s21 =	sshll.u32 s6, $0x1;
	s3 =	sadd.s32 s4, s19  }
0x9c: {  	s7 =	simm.s32 $0x0;
	s20 =	sshll.u32 s5, $0x1;
	s5 =	sadd.s32 s21, s3  }
0x9d: {  	[timem:s7], [sflag:s22] =	dma.local [hbm:s5], s20  }
0x9e: {  	_ =	swait.ge [sflag:s22], s20  }
0x9f: {  	s4 =	ssub.s32 $0x0, s20;
	[sflag:s22] =	ssyncset.done $0x0  }
0xa0: {  	[sflag:s22] =	ssyncadd.s32 s4;
	_ =	sdelay $0x1  }
0xa1: {  	s23 =	simm.s32 $0x1B8B  }
0xa2: {  	_ =	swait.ge [sflag:s23], $0x1  }
0xa3: {  	[sflag:s23] =	ssyncset.done $0x0  }
0xa4: {  	s25 =	simm.s32 $0x1B8E;
	s24 =	sld [smem:$0x3FFE];
	[sflag:s23] =	ssyncadd.s32 $0xFFFFFFFF  }
0xa5: {  	s26 =	simm.s32 $execute0_lowered;
	[smem:$0x3FD2] =	sst s25  }
0xa6: {  	s5 =	sshll.u32 s26, $0x1;
	_ =	strace $0x80000046;
	[dreg:$0x1] =	wrdreg $0xFFFFFFFF  }
0xa7: {  	s28 =	simm.s32 $_size_execute0_lowered;
	s3 =	sadd.s32 s3, s5;
	[dreg:$0x0] =	wrdreg $0x0  }
0xa8: {  	s5 =	sshll.u32 s28, $0x1;
	[dreg:$0x2] =	wrdreg s3  }
0xa9: {  	[dreg:$0x3] =	wrdreg s5  }
0xaa: {  	[dreg:$0x4] =	wrdreg $0xC0  }
0xab: {  	_ =	task [dreg:s7], $0x5FFFF  }
0xac: {  	[dreg:$0x1] =	wrdreg $0xFFFFFFFF  }
0xad: {  	[dreg:$0x0] =	wrdreg $0x60  }
0xae: {  	[dreg:$0x2] =	wrdreg s2  }
0xaf: {  	[dreg:$0x3] =	wrdreg s24  }
0xb0: {  	[dreg:$0x4] =	wrdreg $0x158000  }
0xb1: {  	[dreg:$0x5] =	wrdreg $0x9  }
0xb2: {  	_ =	task.clear_ibuf [dreg:s7], $0x6FFFF;
	_ =	strace $0x90000046  }
0xb3: {  	s29 =	simm.s32 $0x9;
	_ =	strace $0x80000048  }
0xb4: {  	_ =	swait.ge [sflag:s29], $0x1  }
0xb5: {  	[sflag:s29] =	ssyncadd.s32 $0xFFFFFFFF  }
0xb6: {  	_ =	strace $0x90000048  }
0xb7: {  	_ =	sfence  }
0xb8: {  	s30 =	sld [smem:$0x0];
	_ =	sdelay $0x2  }
0xb9: {  	s31 =	sshll.u32 s1, $0xD;
	s1 =	sshrl.u32 s1, $0x2  }
0xba: {  	s3 =	sand.u32 $0x4000, s31;
	s1 =	sadd.s32 s1, s30  }
0xbb: {  	s0 =	sor.u32 s3, s0;
	s1 =	sshll.u32 s1, $0x11  }
0xbc: {  	s0 =	sor.u32 s1, s0  }
0xbd: {  	s0 =	sadd.s32 $0x8F2B, s0  }
0xbe: {  	[sflag:s0] =	ssyncadd.remote.s32 $0x1  }
0xbf: {  	_ =	sfence.sel $0xFFFF  }
0xc0: {  	[dreg:$0x0] =	wrdreg $0xFFFFFFFF;
	(pc) =	sbr.abs _section_cstart, $3  }
0xc1: {  	[dreg:$0x1] =	wrdreg $0xFFFFFFFF  }
0xc2: {  	_ =	task.clear_ibuf [dreg:s7], $0x2FFFF;
	_ =	strace $0x9FFFFFFF  }
0xc3: {  	(tm) =	ssettm $0x7FFFFFFF  }
tec
execute0_lowered:
.L_overlay_start_1:
0x0: {  	(tag) =	ssettag $0x1  }
0x1: {  	s0 =	rddreg [dreg:$0x0]  }
0x2: {  	s2 =	rddreg [dreg:$0x1]  }
0x3: {  	s1 =	rddreg [dreg:$0x2];
	s3 =	srdreg.scid  }
0x4: {  	s10 =	stileid.u32;
	s28 =	simm.s32 $0x8000;
	s29 =	simm.s32 $0x9400  }
0x5: {  	s30 =	simm.s32 $0xA800;
	s31 =	simm.s32 $0xBC00;
	s4 =	sand.u32 $0x1, s3  }
0x6: {  	s3 =	simm.s32 $0x0;
	s7 =	sshll.u32 s10, $0x9;
	s13 =	sshll.u32 s10, $0xC  }
0x7: {  	s24 =	smul.u32 $0x27100, s10;
	s5 =	sshll.u32 s4, $0x4;
	[smem:$0x7FF] =	sst s3  }
0x8: {  	s8 =	ssub.s32 $0x2, s4;
	s26 =	sadd.s32 s13, s1;
	s22 =	sshll.u32 s4, $0xD  }
0x9: {  	s4 =	smul.u32 $0x271000, s4;
	s13 =	simm.s32 $0xA;
	s5 =	sor.u32 s10, s5  }
0xa: {  	_ =	strace $0x80000047;
	s11 =	sshrl.u32 s8, $0x1;
	s10 =	simm.s32 $0x7  }
0xb: {  	[dreg:$0x5] =	wrdreg s26;
	s6 =	sshll.u32 s5, $0xC;
	s9 =	smul.u32 $0x138800, s5  }
0xc: {  	s5 =	smul.u32 $0x27100, s5;
	s6 =	sadd.s32 s6, s2;
	s2 =	sadd.s32 s7, s2  }
0xd: {  	s7 =	ssub.s32 s8, s11;
	s11 =	simm.s32 $0x8;
	s6 =	sadd.s32 $0x400, s6  }
0xe: {  	s12 =	sshrl.u32 s9, $0x3;
	s5 =	sadd.s32 s0, s5;
	[dreg:$0x4] =	wrdreg s6  }
0xf: {  	s2 =	sadd.s32 s22, s2;
	s25 =	smax.u32 s7, $0x1;
	[dreg:$0x6] =	wrdreg s5  }
0x10: {  	s8 =	sadd.s32 s0, s12;
	s2 =	sadd.s32 $0x20400, s2;
	[dreg:$0x11] =	wrdreg s25  }
0x11: {  	s9 =	simm.s32 $0x6;
	s14 =	sadd.s32 $0x280, s8;
	[dreg:$0x10] =	wrdreg s2  }
0x12: {  	s22 =	simm.s32 $0x13;
	s15 =	sadd.s32 $0x500, s8;
	[dreg:$0x7] =	wrdreg s14  }
0x13: {  	s7 =	simm.s32 $0x12000;
	s16 =	sadd.s32 $0x780, s8;
	[dreg:$0x8] =	wrdreg s15  }
0x14: {  	s0 =	sadd.s32 s4, s0;
	s17 =	sadd.s32 $0xA00, s8;
	[dreg:$0x9] =	wrdreg s16  }
0x15: {  	s25 =	simm.s32 $0x15;
	s18 =	sadd.s32 $0xC80, s8;
	[dreg:$0xa] =	wrdreg s17  }
0x16: {  	s12 =	simm.s32 $0x9;
	s19 =	sadd.s32 $0xF00, s8;
	[dreg:$0xb] =	wrdreg s18  }
0x17: {  	s5 =	simm.s32 $0x10;
	s20 =	sadd.s32 $0x1180, s8;
	[dreg:$0xc] =	wrdreg s19  }
0x18: {  	s4 =	simm.s32 $0xF800;
	s21 =	sadd.s32 $0x1400, s8;
	[dreg:$0xd] =	wrdreg s20  }
0x19: {  	s6 =	simm.s32 $0x10C00;
	s23 =	sadd.s32 $0x1680, s8;
	[dreg:$0xe] =	wrdreg s21  }
.Ltmp0:
0x1a: {  	s0 =	sadd.s32 s24, s0;
	[dreg:$0xf] =	wrdreg s23;
	(pc) =	sbr.rel .LBB2_1-.Ltmp0, $4  }
0x1b: {  	s2 =	simm.s32 $0xE400;
	[dreg:$0x12] =	wrdreg s0;
	s20 =	simm.s32 $0x28  }
0x1c: {  	s14 =	simm.s32 $0xB;
	s15 =	simm.s32 $0xC;
	s16 =	simm.s32 $0xD  }
0x1d: {  	s17 =	simm.s32 $0xE;
	s21 =	simm.s32 $0xF;
	s19 =	simm.s32 $0x11  }
0x1e: {  	v0 =	vimm.f32 $0.0e+00;
	s18 =	simm.s32 $0x12;
	s23 =	simm.s32 $0x14;
	s0 =	simm.s32 $0x0  }
.LBB2_5:
0x1f: {  	_ =	swait.ge [sflag:s15], $0x1400  }
0x20: {  	[sflag:s15] =	ssyncset.done $0x0  }
0x21: {  	[sflag:s15] =	ssyncadd.s32 $0xFFFFEC00  }
0x22: {  	_ =	swait.ge [sflag:s16], $0x1400  }
0x23: {  	[sflag:s16] =	ssyncset.done $0x0  }
0x24: {  	[sflag:s16] =	ssyncadd.s32 $0xFFFFEC00  }
0x25: {  	_ =	swait.ge [sflag:s17], $0x1400  }
0x26: {  	[sflag:s17] =	ssyncset.done $0x0  }
0x27: {  	[sflag:s17] =	ssyncadd.s32 $0xFFFFEC00  }
0x28: {  	_ =	swait.ge [sflag:s21], $0x1400  }
0x29: {  	[sflag:s21] =	ssyncset.done $0x0  }
0x2a: {  	[sflag:s21] =	ssyncadd.s32 $0xFFFFEC00  }
0x2b: {  	_ =	swait.ge [sflag:s5], $0x1400  }
0x2c: {  	[sflag:s5] =	ssyncset.done $0x0  }
0x2d: {  	[sflag:s5] =	ssyncadd.s32 $0xFFFFEC00  }
0x2e: {  	_ =	swait.ge [sflag:s19], $0x1400  }
0x2f: {  	[sflag:s19] =	ssyncset.done $0x0  }
0x30: {  	[sflag:s19] =	ssyncadd.s32 $0xFFFFEC00  }
0x31: {  	_ =	swait.ge [sflag:s18], $0x1400  }
0x32: {  	[sflag:s18] =	ssyncset.done $0x0  }
0x33: {  	[sflag:s18] =	ssyncadd.s32 $0xFFFFEC00  }
0x34: {  	_ =	swait.ge [sflag:s22], $0x1400  }
0x35: {  	[sflag:s22] =	ssyncset.done $0x0  }
0x36: {  	[sflag:s22] =	ssyncadd.s32 $0xFFFFEC00  }
0x37: {  	_ =	swait.ge [sflag:s23], $0x1400  }
0x38: {  	[sflag:s23] =	ssyncset.done $0x0  }
0x39: {  	[sflag:s23] =	ssyncadd.s32 $0xFFFFEC00  }
.LBB2_7:
0x3a: {  	s24 =	stileid.u32;
	[bflag:$0x0] =	sbarrier.arrive $0xFFFF  }
0x3b: {  	s24 =	sshll.u32 s24, $0x6;
	s26 =	rddreg [dreg:$0x5]  }
0x3c: {  	s28 =	rddreg [dreg:$0x10];
	s24 =	sor.u32 $0x1C15, s24;
	s25 =	sshrl.u32 s26, $0x3  }
0x3d: {  	[hbm:s28], [sflag:s24] =	dma.local [spmem:s25], $0x200  }
0x3e: {  	s25 =	simm.s32 $0x15  }
0x3f: {  	_ =	swait.ge [sflag:s25], $0x200  }
0x40: {  	s0 =	rddreg [dreg:$0x13]  }
0x41: {  	s8 =	rddreg [dreg:$0x11];
	s0 =	sadd.s32 $0x1, s0  }
0x42: {  	p0 =	sne.s32 s0, s8  }
.Ltmp1:
0x43: {  	_ = 	snop;
	(pc) =	sbr.rel @!p0 .LBB2_8-.Ltmp1, $3  }
0x44: {  	_ =	sdelay $0x1  }
0x45: {  	[sflag:s25] =	ssyncset.done $0x0  }
0x46: {  	s28 =	simm.s32 $0x8000;
	[sflag:s25] =	ssyncadd.s32 $0xFFFFFE00  }
.LBB2_1:
0x47: {  	[dreg:$0x13] =	wrdreg s0  }
0x48: {  	s24 =	rddreg [dreg:$0x4]  }
0x49: {  	[tilespmem:s3], [sflag:$0x15] =	stream.linear.gather [hbm4b:s24+s3], $0x7D00, $0x38;
	[tilespmem:$0x16800] =	vst v63  }
0x4a: {  	_ =	swait.ge [sflag:s25], $0x7D00  }
0x4b: {  	[sflag:s25] =	ssyncset.done $0x0  }
0x4c: {  	s24 =	simm.s32 $0x0;
	[sflag:s25] =	ssyncadd.s32 $0xFFFF8300;
	s25 =	simm.s32 $0x200  }
.LBB2_2:
0x4d: {  	p0 =	sne.s32 s25, $0x3E00;
	[tilespmem:s24+$0x14870] =	vst v0  }
0x4e: {  	[tilespmem:s24+$0x14800] =	vst v0  }
0x4f: {  	[tilespmem:s24+$0x14810] =	vst v0  }
.Ltmp2:
0x50: {  	[tilespmem:s24+$0x14820] =	vst v0;
	(pc) =	sbr.rel @p0 .LBB2_2-.Ltmp2, $4  }
0x51: {  	[tilespmem:s24+$0x14830] =	vst v0  }
0x52: {  	[tilespmem:s24+$0x14840] =	vst v0  }
0x53: {  	[tilespmem:s24+$0x14850] =	vst v0  }
0x54: {  	[tilespmem:s24+$0x14860] =	vst v0;
	s24 =	sshra.s32 s25, $0x2;
	s25 =	sadd.s32 $0x200, s25  }
0x55: {  	[tilespmem:s24+$0x14870] =	vst v0  }
0x56: {  	[tilespmem:s24+$0x14800] =	vst v0  }
0x57: {  	[tilespmem:s24+$0x14810] =	vst v0  }
0x58: {  	[tilespmem:s24+$0x14820] =	vst v0  }
0x59: {  	[tilespmem:s24+$0x14830] =	vst v0  }
0x5a: {  	[tilespmem:s24+$0x14840] =	vst v0  }
0x5b: {  	[tilespmem:s24+$0x14850] =	vst v0  }
0x5c: {  	[tilespmem:s24+$0x14860] =	vst v0;
	s25 =	simm.s32 $0x14800;
	s0 =	simm.s32 $0x16  }
0x5d: {  	[spmem:s26] =	stream.linear.scatter [tilespmem:s25], [sflag:$0x16], $0x1000, $0x38;
	[tilespmem:$0x16800] =	vst v63  }
0x5e: {  	_ =	swait.ge [sflag:s0], $0x1000  }
0x5f: {  	[sflag:s0] =	ssyncset.done $0x0  }
0x60: {  	[sflag:s0] =	ssyncadd.s32 $0xFFFFF000  }
0x61: {  	[bflag:$0x0] =	sbarrier.arrive $0xFFFF  }
0x62: {  	s24 =	simm.s32 $0x0;
	s25 =	rddreg [dreg:$0x6]  }
0x63: {  	[tilespmem:s28], [sflag:$0x1] =	stream.linear.gather [hbm4b:s25+s24], $0x1400, $0x38;
	[tilespmem:$0x16800] =	vst v63  }
0x64: {  	s8 =	rddreg [dreg:$0x7]  }
0x65: {  	[tilespmem:s29], [sflag:$0x2] =	stream.linear.gather [hbm4b:s8+s24], $0x1400, $0x38;
	[tilespmem:$0x16800] =	vst v63  }
0x66: {  	s26 =	rddreg [dreg:$0x8]  }
0x67: {  	[tilespmem:s30], [sflag:$0x3] =	stream.linear.gather [hbm4b:s26+s24], $0x1400, $0x38;
	[tilespmem:$0x16800] =	vst v63  }
0x68: {  	s0 =	rddreg [dreg:$0x9]  }
0x69: {  	[tilespmem:s31], [sflag:$0x4] =	stream.linear.gather [hbm4b:s0+s24], $0x1400, $0x38;
	[tilespmem:$0x16800] =	vst v63  }
0x6a: {  	s8 =	rddreg [dreg:$0xa];
	s0 =	simm.s32 $0xD000  }
0x6b: {  	[tilespmem:s0], [sflag:$0x5] =	stream.linear.gather [hbm4b:s8+s24], $0x1400, $0x38;
	[tilespmem:$0x16800] =	vst v63  }
0x6c: {  	s26 =	rddreg [dreg:$0xb]  }
0x6d: {  	[tilespmem:s2], [sflag:$0x6] =	stream.linear.gather [hbm4b:s26+s24], $0x1400, $0x38;
	[tilespmem:$0x16800] =	vst v63  }
0x6e: {  	s8 =	rddreg [dreg:$0xc]  }
0x6f: {  	[tilespmem:s4], [sflag:$0x7] =	stream.linear.gather [hbm4b:s8+s24], $0x1400, $0x38;
	[tilespmem:$0x16800] =	vst v63  }
0x70: {  	s26 =	rddreg [dreg:$0xd]  }
0x71: {  	[tilespmem:s6], [sflag:$0x8] =	stream.linear.gather [hbm4b:s26+s24], $0x1400, $0x38;
	[tilespmem:$0x16800] =	vst v63  }
0x72: {  	s8 =	rddreg [dreg:$0xe]  }
0x73: {  	[tilespmem:s7], [sflag:$0x9] =	stream.linear.gather [hbm4b:s8+s24], $0x1400, $0x38;
	[tilespmem:$0x16800] =	vst v63  }
0x74: {  	s25 =	simm.s32 $0x480;
	s26 =	rddreg [dreg:$0xf];
	s8 =	simm.s32 $0x13400  }
0x75: {  	[tilespmem:s8], [sflag:$0xA] =	stream.linear.gather [hbm4b:s26+s24], $0x1400, $0x38;
	[tilespmem:$0x16800] =	vst v63  }
.LBB2_4:
0x76: {  	s26 =	simm.s32 $0x1  }
0x77: {  	_ =	swait.ge [sflag:s26], $0x1400  }
0x78: {  	[sflag:s26] =	ssyncset.done $0x0  }
0x79: {  	[sflag:s26] =	ssyncadd.s32 $0xFFFFEC00;
	s26 =	sadd.s32 $0xFFFFFB80, s25  }
0x7a: {  	[spmem:s1] =	stream.indirect.scatter.add.f32 [tilespmem:s28], [sflag:$0xB], $0x80, s26, s20, $0xb8;
	[tilespmem:$0x16800] =	vst v63  }
0x7b: {  	s28 =	simm.s32 $0x2  }
0x7c: {  	_ =	swait.ge [sflag:s28], $0x1400  }
0x7d: {  	[sflag:s28] =	ssyncset.done $0x0  }
0x7e: {  	[sflag:s28] =	ssyncadd.s32 $0xFFFFEC00;
	s28 =	sadd.s32 $0xFFFFFC00, s25  }
0x7f: {  	[spmem:s1] =	stream.indirect.scatter.add.f32 [tilespmem:s29], [sflag:$0xC], $0x80, s28, s20, $0xb8;
	[tilespmem:$0x16800] =	vst v63  }
0x80: {  	s28 =	simm.s32 $0x3  }
0x81: {  	_ =	swait.ge [sflag:s28], $0x1400  }
0x82: {  	[sflag:s28] =	ssyncset.done $0x0  }
0x83: {  	[sflag:s28] =	ssyncadd.s32 $0xFFFFEC00;
	s28 =	sadd.s32 $0xFFFFFC80, s25  }
0x84: {  	[spmem:s1] =	stream.indirect.scatter.add.f32 [tilespmem:s30], [sflag:$0xD], $0x80, s28, s20, $0xb8;
	[tilespmem:$0x16800] =	vst v63  }
0x85: {  	s28 =	simm.s32 $0x4  }
0x86: {  	_ =	swait.ge [sflag:s28], $0x1400  }
0x87: {  	[sflag:s28] =	ssyncset.done $0x0  }
0x88: {  	[sflag:s28] =	ssyncadd.s32 $0xFFFFEC00;
	s28 =	sadd.s32 $0xFFFFFD00, s25  }
0x89: {  	[spmem:s1] =	stream.indirect.scatter.add.f32 [tilespmem:s31], [sflag:$0xE], $0x80, s28, s20, $0xb8;
	[tilespmem:$0x16800] =	vst v63  }
0x8a: {  	s28 =	simm.s32 $0x5  }
0x8b: {  	_ =	swait.ge [sflag:s28], $0x1400  }
0x8c: {  	[sflag:s28] =	ssyncset.done $0x0  }
0x8d: {  	[sflag:s28] =	ssyncadd.s32 $0xFFFFEC00;
	s28 =	sadd.s32 $0xFFFFFD80, s25  }
0x8e: {  	[spmem:s1] =	stream.indirect.scatter.add.f32 [tilespmem:s0], [sflag:$0xF], $0x80, s28, s20, $0xb8;
	[tilespmem:$0x16800] =	vst v63  }
0x8f: {  	_ =	swait.ge [sflag:s9], $0x1400  }
0x90: {  	[sflag:s9] =	ssyncset.done $0x0  }
0x91: {  	s28 =	sadd.s32 $0xFFFFFE00, s25;
	[sflag:s9] =	ssyncadd.s32 $0xFFFFEC00  }
0x92: {  	[spmem:s1] =	stream.indirect.scatter.add.f32 [tilespmem:s2], [sflag:$0x10], $0x80, s28, s20, $0xb8;
	[tilespmem:$0x16800] =	vst v63  }
0x93: {  	_ =	swait.ge [sflag:s10], $0x1400  }
0x94: {  	[sflag:s10] =	ssyncset.done $0x0  }
0x95: {  	s28 =	sadd.s32 $0xFFFFFE80, s25;
	[sflag:s10] =	ssyncadd.s32 $0xFFFFEC00  }
0x96: {  	[spmem:s1] =	stream.indirect.scatter.add.f32 [tilespmem:s4], [sflag:$0x11], $0x80, s28, s20, $0xb8;
	[tilespmem:$0x16800] =	vst v63  }
0x97: {  	_ =	swait.ge [sflag:s11], $0x1400  }
0x98: {  	[sflag:s11] =	ssyncset.done $0x0  }
0x99: {  	s28 =	sadd.s32 $0xFFFFFF00, s25;
	[sflag:s11] =	ssyncadd.s32 $0xFFFFEC00  }
0x9a: {  	[spmem:s1] =	stream.indirect.scatter.add.f32 [tilespmem:s6], [sflag:$0x12], $0x80, s28, s20, $0xb8;
	[tilespmem:$0x16800] =	vst v63  }
0x9b: {  	_ =	swait.ge [sflag:s12], $0x1400  }
0x9c: {  	[sflag:s12] =	ssyncset.done $0x0  }
0x9d: {  	s28 =	sadd.s32 $0xFFFFFF80, s25;
	[sflag:s12] =	ssyncadd.s32 $0xFFFFEC00  }
0x9e: {  	[spmem:s1] =	stream.indirect.scatter.add.f32 [tilespmem:s7], [sflag:$0x13], $0x80, s28, s20, $0xb8;
	[tilespmem:$0x16800] =	vst v63  }
0x9f: {  	_ =	swait.ge [sflag:s13], $0x1400  }
0xa0: {  	p0 =	sne.s32 s24, $0x25800;
	[sflag:s13] =	ssyncset.done $0x0  }
.Ltmp3:
0xa1: {  	[sflag:s13] =	ssyncadd.s32 $0xFFFFEC00;
	(pc) =	sbr.rel @!p0 .LBB2_5-.Ltmp3, $4  }
0xa2: {  	[spmem:s1] =	stream.indirect.scatter.add.f32 [tilespmem:s8], [sflag:$0x14], $0x80, s25, s20, $0xb8;
	[tilespmem:$0x16800] =	vst v63  }
0xa3: {  	_ =	swait.ge [sflag:s14], $0x1400  }
0xa4: {  	[sflag:s14] =	ssyncset.done $0x0  }
0xa5: {  	[sflag:s14] =	ssyncadd.s32 $0xFFFFEC00  }
0xa6: {  	s26 =	rddreg [dreg:$0x12]  }
0xa7: {  	s26 =	sadd.s32 s24, s26  }
0xa8: {  	s29 =	simm.s32 $0x8000;
	s28 =	sadd.s32 $0x1900, s26  }
0xa9: {  	[tilespmem:s29], [sflag:$0x1] =	stream.linear.gather [hbm4b:s28+s3], $0x1400, $0x38;
	[tilespmem:$0x16800] =	vst v63  }
0xaa: {  	_ =	swait.ge [sflag:s15], $0x1400  }
0xab: {  	[sflag:s15] =	ssyncset.done $0x0  }
0xac: {  	s29 =	simm.s32 $0x9400;
	s28 =	sadd.s32 $0x1B80, s26;
	[sflag:s15] =	ssyncadd.s32 $0xFFFFEC00  }
0xad: {  	[tilespmem:s29], [sflag:$0x2] =	stream.linear.gather [hbm4b:s28+s3], $0x1400, $0x38;
	[tilespmem:$0x16800] =	vst v63  }
0xae: {  	_ =	swait.ge [sflag:s16], $0x1400  }
0xaf: {  	[sflag:s16] =	ssyncset.done $0x0  }
0xb0: {  	s28 =	sadd.s32 $0x1E00, s26;
	[sflag:s16] =	ssyncadd.s32 $0xFFFFEC00  }
0xb1: {  	[tilespmem:s30], [sflag:$0x3] =	stream.linear.gather [hbm4b:s28+s3], $0x1400, $0x38;
	[tilespmem:$0x16800] =	vst v63  }
0xb2: {  	_ =	swait.ge [sflag:s17], $0x1400  }
0xb3: {  	[sflag:s17] =	ssyncset.done $0x0  }
0xb4: {  	s28 =	sadd.s32 $0x2080, s26;
	[sflag:s17] =	ssyncadd.s32 $0xFFFFEC00  }
0xb5: {  	[tilespmem:s31], [sflag:$0x4] =	stream.linear.gather [hbm4b:s28+s3], $0x1400, $0x38;
	[tilespmem:$0x16800] =	vst v63  }
0xb6: {  	_ =	swait.ge [sflag:s21], $0x1400  }
0xb7: {  	[sflag:s21] =	ssyncset.done $0x0  }
0xb8: {  	s28 =	sadd.s32 $0x2300, s26;
	[sflag:s21] =	ssyncadd.s32 $0xFFFFEC00  }
0xb9: {  	[tilespmem:s0], [sflag:$0x5] =	stream.linear.gather [hbm4b:s28+s3], $0x1400, $0x38;
	[tilespmem:$0x16800] =	vst v63  }
0xba: {  	_ =	swait.ge [sflag:s5], $0x1400  }
0xbb: {  	[sflag:s5] =	ssyncset.done $0x0  }
0xbc: {  	s28 =	sadd.s32 $0x2580, s26;
	[sflag:s5] =	ssyncadd.s32 $0xFFFFEC00  }
0xbd: {  	[tilespmem:s2], [sflag:$0x6] =	stream.linear.gather [hbm4b:s28+s3], $0x1400, $0x38;
	[tilespmem:$0x16800] =	vst v63  }
0xbe: {  	_ =	swait.ge [sflag:s19], $0x1400  }
0xbf: {  	[sflag:s19] =	ssyncset.done $0x0  }
0xc0: {  	s28 =	sadd.s32 $0x2800, s26;
	[sflag:s19] =	ssyncadd.s32 $0xFFFFEC00  }
0xc1: {  	[tilespmem:s4], [sflag:$0x7] =	stream.linear.gather [hbm4b:s28+s3], $0x1400, $0x38;
	[tilespmem:$0x16800] =	vst v63  }
0xc2: {  	_ =	swait.ge [sflag:s18], $0x1400  }
0xc3: {  	[sflag:s18] =	ssyncset.done $0x0  }
0xc4: {  	s28 =	sadd.s32 $0x2A80, s26;
	[sflag:s18] =	ssyncadd.s32 $0xFFFFEC00  }
0xc5: {  	[tilespmem:s6], [sflag:$0x8] =	stream.linear.gather [hbm4b:s28+s3], $0x1400, $0x38;
	[tilespmem:$0x16800] =	vst v63  }
0xc6: {  	_ =	swait.ge [sflag:s22], $0x1400  }
0xc7: {  	s24 =	sadd.s32 $0x1900, s24;
	[sflag:s22] =	ssyncset.done $0x0  }
0xc8: {  	p0 =	sne.s32 s24, $0x27100;
	s28 =	sadd.s32 $0x2D00, s26;
	[sflag:s22] =	ssyncadd.s32 $0xFFFFEC00  }
0xc9: {  	[tilespmem:s7], [sflag:$0x9] =	stream.linear.gather [hbm4b:s28+s3], $0x1400, $0x38;
	[tilespmem:$0x16800] =	vst v63  }
.Ltmp4:
0xca: {  	_ = 	snop;
	(pc) =	sbr.rel @p0 .LBB2_4-.Ltmp4, $4  }
.Ltmp5:
0xcb: {  	_ =	swait.ge [sflag:s23], $0x1400;
	(pc) =	sbr.rel @!p0 .LBB2_7-.Ltmp5, $4  }
0xcc: {  	s8 =	simm.s32 $0x13400;
	s25 =	sadd.s32 $0x500, s25;
	[sflag:s23] =	ssyncset.done $0x0  }
0xcd: {  	s26 =	sadd.s32 $0x2F80, s26;
	s28 =	simm.s32 $0x8000;
	[sflag:s23] =	ssyncadd.s32 $0xFFFFEC00  }
0xce: {  	[tilespmem:s8], [sflag:$0xA] =	stream.linear.gather [hbm4b:s26+s3], $0x1400, $0x38;
	[tilespmem:$0x16800] =	vst v63  }
0xcf: {  	_ = 	snop  }
.LBB2_8:
0xd0: {  	_ =	sfence.sel $0x180000  }
0xd1: {  	[bflag:$0x0] =	sbarrier.arrive $0xFFFF  }
0xd2: {  	_ =	strace $0x90000047  }
0xd3: {  	s0 =	stileid.u32;
	[bflag:$0x2] =	sbarrier.arrive $0xFFFF  }
0xd4: {  	p0 =	sne.s32 s0, $0x0;
	s0 =	rddreg [dreg:$0x3]  }
0xd5: {  	s0 =	sadd.s32 @!p0 $0x100000, s0  }
0xd6: {  	[sflag:s0] =	ssyncadd.tile.s32 @!p0 $0x1;
	_ =	shalt  }
.Lfunc_end2:
_tile_overlayer_lowered:
.L_overlay_start_2:
0xd7: {  	(tag) =	ssettag $0x2  }
0xd8: {  	s0 =	rddreg [dreg:$0x0];
	s2 =	stileid.u32  }
0xd9: {  	s1 =	rddreg [dreg:$0x1];
	p0 =	sne.s32 s2, $0x0  }
0xda: {  	s3 =	rddreg [dreg:$0x2];
	[bflag:$0x3] =	sbarrier.arrive $0xFFFF;
	s2 =	simm.s32 @!p0 $0x1C16  }
0xdb: {  	[timem:s3], [sflag:s2] =	dma.local @!p0 [hbm:s0], s1  }
0xdc: {  	s0 =	simm.s32 @!p0 $0x16  }
0xdd: {  	_ =	swait.ge @!p0 [sflag:s0], s1  }
0xde: {  	s1 =	ssub.s32 @!p0 $0x0, s1;
	[sflag:s0] =	ssyncset.done @!p0 $0x0  }
0xdf: {  	[sflag:s0] =	ssyncadd.s32 @!p0 s1  }
0xe0: {  	[bflag:$0x3] =	sbarrier.arrive $0xFFFF  }
0xe1: {  	_ =	shalt  }

</sc_bundles>
